<compile_context>
chip_gen: v7x
topology: tpu7x:2x2x1
jax: 0.10.2.dev20260603
libtpu: 0.0.44.dev20260713+nightly
codegen_flags: <defaults>
</compile_context>

<pallas_src>
import functools

import jax
import jax.numpy as jnp
from jax import lax
from jax.experimental import pallas as pl
from jax.experimental.pallas import tpu as pltpu
from jax.experimental.pallas import tpu_sc as plsc

N = 10000
NPAD = 10240
E = 320000
IN_F = 128
HID_F = 64
OUT_F = 64
B = 64

NC = 2
NS = 16
NW = NC * NS
CHUNK = 80
NCHUNK = E // (NW * CHUNK)
NCHUNK_PAD = 128
ROWS_TILE = NPAD // NS

_sc_mesh = plsc.VectorSubcoreMesh(
    core_axis_name="c", subcore_axis_name="s", num_cores=NC, num_subcores=NS)
_sc_params = pltpu.CompilerParams(use_tc_tiling_on_sc=False)


@functools.partial(
    pl.kernel,
    out_type=jax.ShapeDtypeStruct((NC * NPAD,), jnp.float32),
    mesh=_sc_mesh,
    compiler_params=_sc_params,
    scratch_types=[
        pltpu.VMEM((NCHUNK_PAD, CHUNK), jnp.int32),
        pltpu.VMEM((CHUNK,), jnp.float32),
        pltpu.VMEM((ROWS_TILE,), jnp.float32),
        pltpu.VMEM_SHARED((NPAD,), jnp.float32),
        pltpu.SemaphoreType.DMA,
    ],
)
def _deg_sc(dst_hbm, zvec_hbm, degp_hbm, didx, ones_v, bounce, deg_sh, sem):
    c = lax.axis_index("c")
    s = lax.axis_index("s")
    wid = c * NS + s
    for i in range(CHUNK // 16):
        ones_v[pl.ds(i * 16, 16)] = jnp.ones((16,), jnp.float32)
    pltpu.sync_copy(zvec_hbm, deg_sh.at[pl.ds(s * ROWS_TILE, ROWS_TILE)])
    pltpu.sync_copy(dst_hbm.at[pl.ds(wid * NCHUNK_PAD, NCHUNK_PAD), :], didx)
    plsc.subcore_barrier()
    def body(i, carry):
        for k in range(5):
            pltpu.async_copy(ones_v, deg_sh.at[didx.at[i * 5 + k]], sem,
                             add=True)
        for k in range(5):
            pltpu.make_async_copy(ones_v, deg_sh.at[didx.at[0]], sem).wait()
        return carry
    lax.fori_loop(0, NCHUNK // 5, body, 0)
    plsc.subcore_barrier()
    pltpu.sync_copy(deg_sh.at[pl.ds(s * ROWS_TILE, ROWS_TILE)], bounce)
    pltpu.sync_copy(bounce,
                    degp_hbm.at[pl.ds(c * NPAD + s * ROWS_TILE, ROWS_TILE)])


@functools.partial(
    pl.kernel,
    out_type=jax.ShapeDtypeStruct((NC, NPAD, HID_F), jnp.float32),
    mesh=_sc_mesh,
    compiler_params=_sc_params,
    scratch_types=[
        pltpu.VMEM((NCHUNK_PAD, CHUNK), jnp.int32),
        pltpu.VMEM((NCHUNK_PAD, CHUNK), jnp.int32),
        pltpu.VMEM((2, CHUNK, HID_F), jnp.float32),
        pltpu.VMEM((CHUNK, HID_F), jnp.float32),
        pltpu.VMEM_SHARED((NPAD, HID_F), jnp.float32),
        pltpu.SemaphoreType.DMA,
        pltpu.SemaphoreType.DMA,
    ],
)
def _msg_sc(src_hbm, dst_hbm, g_hbm, zrows_hbm, accp_hbm,
            sidx, didx, rows, bounce, acc_sh, gsem, ssem):
    c = lax.axis_index("c")
    s = lax.axis_index("s")
    wid = c * NS + s

    pltpu.sync_copy(zrows_hbm, acc_sh.at[pl.ds(s * ROWS_TILE, ROWS_TILE), :])
    pltpu.sync_copy(src_hbm.at[pl.ds(wid * NCHUNK_PAD, NCHUNK_PAD), :], sidx)
    pltpu.sync_copy(dst_hbm.at[pl.ds(wid * NCHUNK_PAD, NCHUNK_PAD), :], didx)
    plsc.subcore_barrier()

    def fire_gather(j, b):
        pltpu.async_copy(g_hbm.at[sidx.at[j]], rows.at[b], gsem)

    def wait_gather(b):
        pltpu.make_async_copy(g_hbm.at[sidx.at[0]], rows.at[b], gsem).wait()

    def fire_scatter(j, b):
        pltpu.async_copy(rows.at[b], acc_sh.at[didx.at[j]], ssem, add=True)

    def wait_scatter(b):
        pltpu.make_async_copy(rows.at[b], acc_sh.at[didx.at[0]], ssem).wait()

    fire_gather(0, 0)
    wait_gather(0)
    fire_scatter(0, 0)
    fire_gather(1, 1)

    def body(i, carry):
        j = 1 + 2 * i
        wait_gather(1)
        fire_scatter(j, 1)
        wait_scatter(0)
        fire_gather(j + 1, 0)
        wait_gather(0)
        fire_scatter(j + 1, 0)
        wait_scatter(1)
        fire_gather(j + 2, 1)
        return carry
    lax.fori_loop(0, (NCHUNK - 3) // 2, body, 0)

    j = NCHUNK - 2
    wait_gather(1)
    fire_scatter(j, 1)
    wait_scatter(0)
    fire_gather(j + 1, 0)
    wait_gather(0)
    fire_scatter(j + 1, 0)
    wait_scatter(1)
    wait_scatter(0)

    plsc.subcore_barrier()
    for k in range(ROWS_TILE // CHUNK):
        r0 = s * ROWS_TILE + k * CHUNK
        pltpu.sync_copy(acc_sh.at[pl.ds(r0, CHUNK), :], bounce)
        pltpu.sync_copy(bounce, accp_hbm.at[c, pl.ds(r0, CHUNK), :])


def _mm_body(x_ref, w_ref, degp_ref, g_ref, dinv_ref):
    d = degp_ref[0] + degp_ref[1] + 1.0
    dinv = lax.rsqrt(d)
    h = jnp.dot(x_ref[...], w_ref[...], preferred_element_type=jnp.float32)
    g_ref[...] = h * dinv
    dinv_ref[...] = dinv


_mm_tc = pl.pallas_call(
    _mm_body,
    out_shape=(jax.ShapeDtypeStruct((NPAD, HID_F), jnp.float32),
               jax.ShapeDtypeStruct((NPAD, 1), jnp.float32)),
)


def _fin_body(accp_ref, g_ref, dinv_ref, bg_ref, batch_ref, wl_ref, bl_ref,
              out_ref):
    acc = accp_ref[0] + accp_ref[1] + g_ref[...]
    act = jnp.maximum(acc * dinv_ref[...] + bg_ref[...], 0.0)
    ids = lax.broadcasted_iota(jnp.int32, (B, NPAD), 0)
    onehot = jnp.where(ids == batch_ref[...], 1.0, 0.0)
    seg = jnp.dot(onehot, act, preferred_element_type=jnp.float32)
    cnt = jnp.sum(onehot, axis=1, keepdims=True)
    emb = seg / jnp.maximum(cnt, 1.0)
    z = jnp.dot(emb, wl_ref[...], preferred_element_type=jnp.float32)
    out_ref[...] = jnp.tanh(z + bl_ref[...])


_fin_tc = pl.pallas_call(
    _fin_body,
    out_shape=jax.ShapeDtypeStruct((B, OUT_F), jnp.float32),
)


def _pad_chunks(v):
    v3 = v.reshape(NW, NCHUNK, CHUNK)
    v3 = jnp.pad(v3, ((0, 0), (0, NCHUNK_PAD - NCHUNK), (0, 0)))
    return v3.reshape(NW * NCHUNK_PAD, CHUNK)


def kernel(x, edge_index, batch, W_gcn, b_gcn, W_lin, b_lin):
    src = _pad_chunks(edge_index[0])
    dst = _pad_chunks(edge_index[1])
    zvec = jnp.zeros((ROWS_TILE,), jnp.float32)
    zrows = jnp.zeros((ROWS_TILE, HID_F), jnp.float32)

    degp = _deg_sc(dst, zvec).reshape(NC, NPAD)
    x_pad = jnp.pad(x, ((0, NPAD - N), (0, 0)))
    g, dinv = _mm_tc(x_pad, W_gcn, degp.reshape(NC, NPAD, 1))
    accp = _msg_sc(src, dst, g, zrows)
    batch_pad = jnp.pad(batch, (0, NPAD - N),
                        constant_values=B).reshape(1, NPAD)
    return _fin_tc(accp, g, dinv, b_gcn.reshape(1, HID_F), batch_pad,
                   W_lin, b_lin.reshape(1, OUT_F))

# --- scband reference (transcript-rebuilt; emitter-appended) ---
"""Pipeline reference for scband-graph-encoder-30451318128787 (READ-ONLY COPY).

The authoritative reference and input builder live on the scoring server;
editing this copy changes nothing except your own understanding.
"""

import jax, jax.numpy as jnp
import numpy as np

N = 10000
E = 320000
IN_F = 128
HID_F = 64
OUT_F = 64
B = 64


def setup_inputs(seed: int = 0) -> dict:
    key = jax.random.key(seed)
    ks = jax.random.split(key, 6)
    x = jax.random.normal(ks[0], (N, IN_F), dtype=jnp.float32)
    edge_index = jax.random.randint(ks[1], (2, E), 0, N, dtype=jnp.int32)
    batch = jnp.sort(jax.random.randint(ks[2], (N,), 0, B, dtype=jnp.int32))
    W_gcn = jax.random.normal(ks[3], (IN_F, HID_F), dtype=jnp.float32) * 0.05
    b_gcn = jnp.zeros((HID_F,), dtype=jnp.float32)
    W_lin = jax.random.normal(ks[4], (HID_F, OUT_F), dtype=jnp.float32) * 0.05
    b_lin = jnp.zeros((OUT_F,), dtype=jnp.float32)
    return {"x": x, "edge_index": edge_index, "batch": batch,
            "W_gcn": W_gcn, "b_gcn": b_gcn, "W_lin": W_lin, "b_lin": b_lin}


def reference(x, edge_index, batch, W_gcn, b_gcn, W_lin, b_lin):
    n = x.shape[0]
    # GCNConv with added self-loops and symmetric normalization (PyG semantics)
    loop = jnp.arange(n, dtype=edge_index.dtype)
    src = jnp.concatenate([edge_index[0], loop])
    dst = jnp.concatenate([edge_index[1], loop])
    deg = jnp.zeros((n,), dtype=x.dtype).at[dst].add(1.0)
    dinv = jnp.where(deg > 0, jax.lax.rsqrt(deg), 0.0)
    norm = dinv[src] * dinv[dst]
    h = x @ W_gcn
    msg = h[src] * norm[:, None]
    out = jnp.zeros((n, h.shape[1]), dtype=x.dtype).at[dst].add(msg) + b_gcn
    # relu
    out = jax.nn.relu(out)
    # global_mean_pool over graph segment ids
    seg_sum = jax.ops.segment_sum(out, batch, num_segments=B)
    counts = jax.ops.segment_sum(jnp.ones((n,), dtype=x.dtype), batch, num_segments=B)
    emb = seg_sum / jnp.maximum(counts, 1.0)[:, None]
    # linear1 + tanh
    emb = jnp.tanh(emb @ W_lin + b_lin)
    return emb

if __name__ == "__main__":
    import jax
    _d = setup_inputs()
    print(jax.jit(kernel)(*tuple(_d.values())))

</pallas_src>

<mosaic_0001>
#map = affine_map<(d0, d1) -> (0, 0)>
#map1 = affine_map<(d0, d1) -> (0)>
module attributes {stable_mosaic.version = 14 : i64} {
  func.func @_deg_sc(%arg0: i32, %arg1: i32, %arg2: memref<4096x80xi32, #tpu.memory_space<hbm>>, %arg3: memref<640xf32, #tpu.memory_space<hbm>>, %arg4: memref<20480xf32, #tpu.memory_space<hbm>>, %arg5: memref<128x80xi32, #tpu.memory_space<vmem>>, %arg6: memref<80xf32, #tpu.memory_space<vmem>>, %arg7: memref<640xf32, #tpu.memory_space<vmem>>, %arg8: memref<10240xf32, #tpu.memory_space<vmem_shared>>, %arg9: memref<!tpu.dma_semaphore, #tpu.memory_space<semaphore_mem>>) attributes {dimension_semantics = [#tpu.dimension_semantics<core_parallel>, #tpu.dimension_semantics<subcore_parallel>], iteration_bounds = array<i64: 2, 16>, scalar_prefetch = 0 : i64, scratch_operands = 5 : i64, tpu.core_type = #tpu.core_type<sc_vector_subcore>, window_params = [{transform_indices = #map}, {transform_indices = #map1}, {transform_indices = #map1}]} {
    %mul3A = arith.constant 16 : i32
    %mul3A_0 = arith.muli %arg0, %mul3A : i32
    %add3A = arith.addi %mul3A_0, %arg1 : i32
    %broadcast_in_dim3A = arith.constant 1.000000e+00 : f32
    %broadcast_in_dim3A_1 = vector.broadcast %broadcast_in_dim3A : f32 to vector<16xf32>
    %swap3A = arith.constant 0 : index
    %swap3A_2 = tpu.vector_load %arg6[%swap3A] {strides = array<i32>} : memref<80xf32, #tpu.memory_space<vmem>>, vector<16xf32>,
    %swap3A_3 = vector.shape_cast %swap3A_2 : vector<16xf32> to vector<16xf32>
    %swap3A_4 = vector.shape_cast %broadcast_in_dim3A_1 : vector<16xf32> to vector<16xf32>
    tpu.vector_store %arg6[%swap3A], %swap3A_4 {strides = array<i32>} : memref<80xf32, #tpu.memory_space<vmem>>, vector<16xf32>,
    %broadcast_in_dim3A_5 = arith.constant 1.000000e+00 : f32
    %broadcast_in_dim3A_6 = vector.broadcast %broadcast_in_dim3A_5 : f32 to vector<16xf32>
    %swap3A_7 = arith.constant 16 : index
    %swap3A_8 = tpu.vector_load %arg6[%swap3A_7] {strides = array<i32>} : memref<80xf32, #tpu.memory_space<vmem>>, vector<16xf32>,
    %swap3A_9 = vector.shape_cast %swap3A_8 : vector<16xf32> to vector<16xf32>
    %swap3A_10 = vector.shape_cast %broadcast_in_dim3A_6 : vector<16xf32> to vector<16xf32>
    tpu.vector_store %arg6[%swap3A_7], %swap3A_10 {strides = array<i32>} : memref<80xf32, #tpu.memory_space<vmem>>, vector<16xf32>,
    %broadcast_in_dim3A_11 = arith.constant 1.000000e+00 : f32
    %broadcast_in_dim3A_12 = vector.broadcast %broadcast_in_dim3A_11 : f32 to vector<16xf32>
    %swap3A_13 = arith.constant 32 : index
    %swap3A_14 = tpu.vector_load %arg6[%swap3A_13] {strides = array<i32>} : memref<80xf32, #tpu.memory_space<vmem>>, vector<16xf32>,
    %swap3A_15 = vector.shape_cast %swap3A_14 : vector<16xf32> to vector<16xf32>
    %swap3A_16 = vector.shape_cast %broadcast_in_dim3A_12 : vector<16xf32> to vector<16xf32>
    tpu.vector_store %arg6[%swap3A_13], %swap3A_16 {strides = array<i32>} : memref<80xf32, #tpu.memory_space<vmem>>, vector<16xf32>,
    %broadcast_in_dim3A_17 = arith.constant 1.000000e+00 : f32
    %broadcast_in_dim3A_18 = vector.broadcast %broadcast_in_dim3A_17 : f32 to vector<16xf32>
    %swap3A_19 = arith.constant 48 : index
    %swap3A_20 = tpu.vector_load %arg6[%swap3A_19] {strides = array<i32>} : memref<80xf32, #tpu.memory_space<vmem>>, vector<16xf32>,
    %swap3A_21 = vector.shape_cast %swap3A_20 : vector<16xf32> to vector<16xf32>
    %swap3A_22 = vector.shape_cast %broadcast_in_dim3A_18 : vector<16xf32> to vector<16xf32>
    tpu.vector_store %arg6[%swap3A_19], %swap3A_22 {strides = array<i32>} : memref<80xf32, #tpu.memory_space<vmem>>, vector<16xf32>,
    %broadcast_in_dim3A_23 = arith.constant 1.000000e+00 : f32
    %broadcast_in_dim3A_24 = vector.broadcast %broadcast_in_dim3A_23 : f32 to vector<16xf32>
    %swap3A_25 = arith.constant 64 : index
    %swap3A_26 = tpu.vector_load %arg6[%swap3A_25] {strides = array<i32>} : memref<80xf32, #tpu.memory_space<vmem>>, vector<16xf32>,
    %swap3A_27 = vector.shape_cast %swap3A_26 : vector<16xf32> to vector<16xf32>
    %swap3A_28 = vector.shape_cast %broadcast_in_dim3A_24 : vector<16xf32> to vector<16xf32>
    tpu.vector_store %arg6[%swap3A_25], %swap3A_28 {strides = array<i32>} : memref<80xf32, #tpu.memory_space<vmem>>, vector<16xf32>,
    %mul3A_29 = arith.constant 640 : i32
    %mul3A_30 = arith.muli %arg1, %mul3A_29 : i32
    "tpu.region"() ({
      %run_scoped3A = tpu.sem_alloc : memref<!tpu.dma_semaphore, #tpu.memory_space<semaphore_mem>>
      %dma_start3A = tpu.memref_slice %arg8[%mul3A_30] : memref<10240xf32, #tpu.memory_space<vmem_shared>> -> memref<640xf32, #tpu.memory_space<vmem_shared>>
      tpu.enqueue_dma source(%arg3 : memref<640xf32, #tpu.memory_space<hbm>>) target(%dma_start3A : memref<640xf32, #tpu.memory_space<vmem_shared>>) target_semaphore(%run_scoped3A : memref<!tpu.dma_semaphore, #tpu.memory_space<semaphore_mem>>)
      %dma_wait3A = tpu.memref_slice %arg8[%mul3A_30] : memref<10240xf32, #tpu.memory_space<vmem_shared>> -> memref<640xf32, #tpu.memory_space<vmem_shared>>
      tpu.wait_dma2 semaphore(%run_scoped3A : memref<!tpu.dma_semaphore, #tpu.memory_space<semaphore_mem>>) src(%arg3 : memref<640xf32, #tpu.memory_space<hbm>>) dst(%dma_wait3A : memref<640xf32, #tpu.memory_space<vmem_shared>>)
      tpu.yield
    }) : () -> ()
    %mul3A_31 = arith.constant 128 : i32
    %mul3A_32 = arith.muli %add3A, %mul3A_31 : i32
    "tpu.region"() ({
      %run_scoped3A = tpu.sem_alloc : memref<!tpu.dma_semaphore, #tpu.memory_space<semaphore_mem>>
      %dma_start3A = arith.constant 0 : i32
      %dma_start3A_46 = tpu.memref_slice %arg2[%mul3A_32, %dma_start3A] : memref<4096x80xi32, #tpu.memory_space<hbm>> -> memref<128x80xi32, #tpu.memory_space<hbm>>
      %dma_start3A_47 = arith.constant 0 : i32
      %dma_start3A_48 = tpu.memref_slice %arg2[%mul3A_32, %dma_start3A_47] : memref<4096x80xi32, #tpu.memory_space<hbm>> -> memref<128x80xi32, #tpu.memory_space<hbm>>
      tpu.enqueue_dma source(%dma_start3A_48 : memref<128x80xi32, #tpu.memory_space<hbm>>) target(%arg5 : memref<128x80xi32, #tpu.memory_space<vmem>>) target_semaphore(%run_scoped3A : memref<!tpu.dma_semaphore, #tpu.memory_space<semaphore_mem>>)
      %dma_wait3A = arith.constant 0 : i32
      %dma_wait3A_49 = tpu.memref_slice %arg2[%mul3A_32, %dma_wait3A] : memref<4096x80xi32, #tpu.memory_space<hbm>> -> memref<128x80xi32, #tpu.memory_space<hbm>>
      %dma_wait3A_50 = arith.constant 0 : i32
      %dma_wait3A_51 = tpu.memref_slice %arg2[%mul3A_32, %dma_wait3A_50] : memref<4096x80xi32, #tpu.memory_space<hbm>> -> memref<128x80xi32, #tpu.memory_space<hbm>>
      tpu.wait_dma2 semaphore(%run_scoped3A : memref<!tpu.dma_semaphore, #tpu.memory_space<semaphore_mem>>) src(%dma_wait3A_51 : memref<128x80xi32, #tpu.memory_space<hbm>>) dst(%arg5 : memref<128x80xi32, #tpu.memory_space<vmem>>)
      tpu.yield
    }) : () -> ()
    %barrier3A = arith.constant 0 : index
    tpu.barrier barrier_id(%barrier3A)
    %scan3A = arith.constant 0 : i32
    %scan3A_33 = arith.constant 0 : i32
    %scan3A_34 = arith.constant 25 : i32
    %scan3A_35 = arith.addi %scan3A_33, %scan3A_34 : i32
    %scan3A_36 = arith.constant 1 : i32
    scf.for %scan3A_46 = %scan3A_33 to %scan3A_35 step %scan3A_36  : i32 {
      %mul3A_47 = arith.constant 5 : i32
      %mul3A_48 = arith.muli %scan3A_46, %mul3A_47 : i32
      %add3A_49 = arith.constant 0 : i32
      %add3A_50 = arith.addi %mul3A_48, %add3A_49 : i32
      %dma_start3A = arith.constant 0 : i32
      %dma_start3A_51 = tpu.memref_slice %arg5[%add3A_50, %dma_start3A] : memref<128x80xi32, #tpu.memory_space<vmem>> -> memref<1x80xi32, #tpu.memory_space<vmem>>
      %dma_start3A_52 = tpu.memref_squeeze %dma_start3A_51 : memref<1x80xi32, #tpu.memory_space<vmem>> -> memref<80xi32, #tpu.memory_space<vmem>>
      %dma_start3A_53 = arith.constant 0 : i32
      %dma_start3A_54 = tpu.memref_slice %arg8[%dma_start3A_53] : memref<10240xf32, #tpu.memory_space<vmem_shared>> -> memref<10240xf32, #tpu.memory_space<vmem_shared>>
      tpu.enqueue_indirect_dma source(%arg6 : memref<80xf32, #tpu.memory_space<vmem>>) target(%dma_start3A_54 : memref<10240xf32, #tpu.memory_space<vmem_shared>>) offsets(%dma_start3A_52 : memref<80xi32, #tpu.memory_space<vmem>>) semaphore(%arg9 : memref<!tpu.dma_semaphore, #tpu.memory_space<semaphore_mem>>) {add = true}
      %mul3A_55 = arith.constant 5 : i32
      %mul3A_56 = arith.muli %scan3A_46, %mul3A_55 : i32
      %add3A_57 = arith.constant 1 : i32
      %add3A_58 = arith.addi %mul3A_56, %add3A_57 : i32
      %dma_start3A_59 = arith.constant 0 : i32
      %dma_start3A_60 = tpu.memref_slice %arg5[%add3A_58, %dma_start3A_59] : memref<128x80xi32, #tpu.memory_space<vmem>> -> memref<1x80xi32, #tpu.memory_space<vmem>>
      %dma_start3A_61 = tpu.memref_squeeze %dma_start3A_60 : memref<1x80xi32, #tpu.memory_space<vmem>> -> memref<80xi32, #tpu.memory_space<vmem>>
      %dma_start3A_62 = arith.constant 0 : i32
      %dma_start3A_63 = tpu.memref_slice %arg8[%dma_start3A_62] : memref<10240xf32, #tpu.memory_space<vmem_shared>> -> memref<10240xf32, #tpu.memory_space<vmem_shared>>
      tpu.enqueue_indirect_dma source(%arg6 : memref<80xf32, #tpu.memory_space<vmem>>) target(%dma_start3A_63 : memref<10240xf32, #tpu.memory_space<vmem_shared>>) offsets(%dma_start3A_61 : memref<80xi32, #tpu.memory_space<vmem>>) semaphore(%arg9 : memref<!tpu.dma_semaphore, #tpu.memory_space<semaphore_mem>>) {add = true}
      %mul3A_64 = arith.constant 5 : i32
      %mul3A_65 = arith.muli %scan3A_46, %mul3A_64 : i32
      %add3A_66 = arith.constant 2 : i32
      %add3A_67 = arith.addi %mul3A_65, %add3A_66 : i32
      %dma_start3A_68 = arith.constant 0 : i32
      %dma_start3A_69 = tpu.memref_slice %arg5[%add3A_67, %dma_start3A_68] : memref<128x80xi32, #tpu.memory_space<vmem>> -> memref<1x80xi32, #tpu.memory_space<vmem>>
      %dma_start3A_70 = tpu.memref_squeeze %dma_start3A_69 : memref<1x80xi32, #tpu.memory_space<vmem>> -> memref<80xi32, #tpu.memory_space<vmem>>
      %dma_start3A_71 = arith.constant 0 : i32
      %dma_start3A_72 = tpu.memref_slice %arg8[%dma_start3A_71] : memref<10240xf32, #tpu.memory_space<vmem_shared>> -> memref<10240xf32, #tpu.memory_space<vmem_shared>>
      tpu.enqueue_indirect_dma source(%arg6 : memref<80xf32, #tpu.memory_space<vmem>>) target(%dma_start3A_72 : memref<10240xf32, #tpu.memory_space<vmem_shared>>) offsets(%dma_start3A_70 : memref<80xi32, #tpu.memory_space<vmem>>) semaphore(%arg9 : memref<!tpu.dma_semaphore, #tpu.memory_space<semaphore_mem>>) {add = true}
      %mul3A_73 = arith.constant 5 : i32
      %mul3A_74 = arith.muli %scan3A_46, %mul3A_73 : i32
      %add3A_75 = arith.constant 3 : i32
      %add3A_76 = arith.addi %mul3A_74, %add3A_75 : i32
      %dma_start3A_77 = arith.constant 0 : i32
      %dma_start3A_78 = tpu.memref_slice %arg5[%add3A_76, %dma_start3A_77] : memref<128x80xi32, #tpu.memory_space<vmem>> -> memref<1x80xi32, #tpu.memory_space<vmem>>
      %dma_start3A_79 = tpu.memref_squeeze %dma_start3A_78 : memref<1x80xi32, #tpu.memory_space<vmem>> -> memref<80xi32, #tpu.memory_space<vmem>>
      %dma_start3A_80 = arith.constant 0 : i32
      %dma_start3A_81 = tpu.memref_slice %arg8[%dma_start3A_80] : memref<10240xf32, #tpu.memory_space<vmem_shared>> -> memref<10240xf32, #tpu.memory_space<vmem_shared>>
      tpu.enqueue_indirect_dma source(%arg6 : memref<80xf32, #tpu.memory_space<vmem>>) target(%dma_start3A_81 : memref<10240xf32, #tpu.memory_space<vmem_shared>>) offsets(%dma_start3A_79 : memref<80xi32, #tpu.memory_space<vmem>>) semaphore(%arg9 : memref<!tpu.dma_semaphore, #tpu.memory_space<semaphore_mem>>) {add = true}
      %mul3A_82 = arith.constant 5 : i32
      %mul3A_83 = arith.muli %scan3A_46, %mul3A_82 : i32
      %add3A_84 = arith.constant 4 : i32
      %add3A_85 = arith.addi %mul3A_83, %add3A_84 : i32
      %dma_start3A_86 = arith.constant 0 : i32
      %dma_start3A_87 = tpu.memref_slice %arg5[%add3A_85, %dma_start3A_86] : memref<128x80xi32, #tpu.memory_space<vmem>> -> memref<1x80xi32, #tpu.memory_space<vmem>>
      %dma_start3A_88 = tpu.memref_squeeze %dma_start3A_87 : memref<1x80xi32, #tpu.memory_space<vmem>> -> memref<80xi32, #tpu.memory_space<vmem>>
      %dma_start3A_89 = arith.constant 0 : i32
      %dma_start3A_90 = tpu.memref_slice %arg8[%dma_start3A_89] : memref<10240xf32, #tpu.memory_space<vmem_shared>> -> memref<10240xf32, #tpu.memory_space<vmem_shared>>
      tpu.enqueue_indirect_dma source(%arg6 : memref<80xf32, #tpu.memory_space<vmem>>) target(%dma_start3A_90 : memref<10240xf32, #tpu.memory_space<vmem_shared>>) offsets(%dma_start3A_88 : memref<80xi32, #tpu.memory_space<vmem>>) semaphore(%arg9 : memref<!tpu.dma_semaphore, #tpu.memory_space<semaphore_mem>>) {add = true}
      %dma_wait3A = arith.constant 0 : i32
      %dma_wait3A_91 = arith.constant 0 : i32
      %dma_wait3A_92 = tpu.memref_slice %arg5[%dma_wait3A, %dma_wait3A_91] : memref<128x80xi32, #tpu.memory_space<vmem>> -> memref<1x80xi32, #tpu.memory_space<vmem>>
      %dma_wait3A_93 = tpu.memref_squeeze %dma_wait3A_92 : memref<1x80xi32, #tpu.memory_space<vmem>> -> memref<80xi32, #tpu.memory_space<vmem>>
      %dma_wait3A_94 = arith.constant 0 : i32
      %dma_wait3A_95 = tpu.memref_slice %arg8[%dma_wait3A_94] : memref<10240xf32, #tpu.memory_space<vmem_shared>> -> memref<10240xf32, #tpu.memory_space<vmem_shared>>
      tpu.wait_indirect_dma semaphore(%arg9 : memref<!tpu.dma_semaphore, #tpu.memory_space<semaphore_mem>>) src(%arg6 : memref<80xf32, #tpu.memory_space<vmem>>) dst(%dma_wait3A_95 : memref<10240xf32, #tpu.memory_space<vmem_shared>>)
      %dma_wait3A_96 = arith.constant 0 : i32
      %dma_wait3A_97 = arith.constant 0 : i32
      %dma_wait3A_98 = tpu.memref_slice %arg5[%dma_wait3A_96, %dma_wait3A_97] : memref<128x80xi32, #tpu.memory_space<vmem>> -> memref<1x80xi32, #tpu.memory_space<vmem>>
      %dma_wait3A_99 = tpu.memref_squeeze %dma_wait3A_98 : memref<1x80xi32, #tpu.memory_space<vmem>> -> memref<80xi32, #tpu.memory_space<vmem>>
      %dma_wait3A_100 = arith.constant 0 : i32
      %dma_wait3A_101 = tpu.memref_slice %arg8[%dma_wait3A_100] : memref<10240xf32, #tpu.memory_space<vmem_shared>> -> memref<10240xf32, #tpu.memory_space<vmem_shared>>
      tpu.wait_indirect_dma semaphore(%arg9 : memref<!tpu.dma_semaphore, #tpu.memory_space<semaphore_mem>>) src(%arg6 : memref<80xf32, #tpu.memory_space<vmem>>) dst(%dma_wait3A_101 : memref<10240xf32, #tpu.memory_space<vmem_shared>>)
      %dma_wait3A_102 = arith.constant 0 : i32
      %dma_wait3A_103 = arith.constant 0 : i32
      %dma_wait3A_104 = tpu.memref_slice %arg5[%dma_wait3A_102, %dma_wait3A_103] : memref<128x80xi32, #tpu.memory_space<vmem>> -> memref<1x80xi32, #tpu.memory_space<vmem>>
      %dma_wait3A_105 = tpu.memref_squeeze %dma_wait3A_104 : memref<1x80xi32, #tpu.memory_space<vmem>> -> memref<80xi32, #tpu.memory_space<vmem>>
      %dma_wait3A_106 = arith.constant 0 : i32
      %dma_wait3A_107 = tpu.memref_slice %arg8[%dma_wait3A_106] : memref<10240xf32, #tpu.memory_space<vmem_shared>> -> memref<10240xf32, #tpu.memory_space<vmem_shared>>
      tpu.wait_indirect_dma semaphore(%arg9 : memref<!tpu.dma_semaphore, #tpu.memory_space<semaphore_mem>>) src(%arg6 : memref<80xf32, #tpu.memory_space<vmem>>) dst(%dma_wait3A_107 : memref<10240xf32, #tpu.memory_space<vmem_shared>>)
      %dma_wait3A_108 = arith.constant 0 : i32
      %dma_wait3A_109 = arith.constant 0 : i32
      %dma_wait3A_110 = tpu.memref_slice %arg5[%dma_wait3A_108, %dma_wait3A_109] : memref<128x80xi32, #tpu.memory_space<vmem>> -> memref<1x80xi32, #tpu.memory_space<vmem>>
      %dma_wait3A_111 = tpu.memref_squeeze %dma_wait3A_110 : memref<1x80xi32, #tpu.memory_space<vmem>> -> memref<80xi32, #tpu.memory_space<vmem>>
      %dma_wait3A_112 = arith.constant 0 : i32
      %dma_wait3A_113 = tpu.memref_slice %arg8[%dma_wait3A_112] : memref<10240xf32, #tpu.memory_space<vmem_shared>> -> memref<10240xf32, #tpu.memory_space<vmem_shared>>
      tpu.wait_indirect_dma semaphore(%arg9 : memref<!tpu.dma_semaphore, #tpu.memory_space<semaphore_mem>>) src(%arg6 : memref<80xf32, #tpu.memory_space<vmem>>) dst(%dma_wait3A_113 : memref<10240xf32, #tpu.memory_space<vmem_shared>>)
      %dma_wait3A_114 = arith.constant 0 : i32
      %dma_wait3A_115 = arith.constant 0 : i32
      %dma_wait3A_116 = tpu.memref_slice %arg5[%dma_wait3A_114, %dma_wait3A_115] : memref<128x80xi32, #tpu.memory_space<vmem>> -> memref<1x80xi32, #tpu.memory_space<vmem>>
      %dma_wait3A_117 = tpu.memref_squeeze %dma_wait3A_116 : memref<1x80xi32, #tpu.memory_space<vmem>> -> memref<80xi32, #tpu.memory_space<vmem>>
      %dma_wait3A_118 = arith.constant 0 : i32
      %dma_wait3A_119 = tpu.memref_slice %arg8[%dma_wait3A_118] : memref<10240xf32, #tpu.memory_space<vmem_shared>> -> memref<10240xf32, #tpu.memory_space<vmem_shared>>
      tpu.wait_indirect_dma semaphore(%arg9 : memref<!tpu.dma_semaphore, #tpu.memory_space<semaphore_mem>>) src(%arg6 : memref<80xf32, #tpu.memory_space<vmem>>) dst(%dma_wait3A_119 : memref<10240xf32, #tpu.memory_space<vmem_shared>>)
    }
    %scan3A_37 = arith.constant 25 : i32
    %barrier3A_38 = arith.constant 0 : index
    tpu.barrier barrier_id(%barrier3A_38)
    %mul3A_39 = arith.constant 640 : i32
    %mul3A_40 = arith.muli %arg1, %mul3A_39 : i32
    "tpu.region"() ({
      %run_scoped3A = tpu.sem_alloc : memref<!tpu.dma_semaphore, #tpu.memory_space<semaphore_mem>>
      %dma_start3A = tpu.memref_slice %arg8[%mul3A_40] : memref<10240xf32, #tpu.memory_space<vmem_shared>> -> memref<640xf32, #tpu.memory_space<vmem_shared>>
      %dma_start3A_46 = tpu.memref_slice %arg8[%mul3A_40] : memref<10240xf32, #tpu.memory_space<vmem_shared>> -> memref<640xf32, #tpu.memory_space<vmem_shared>>
      tpu.enqueue_dma source(%dma_start3A_46 : memref<640xf32, #tpu.memory_space<vmem_shared>>) target(%arg7 : memref<640xf32, #tpu.memory_space<vmem>>) target_semaphore(%run_scoped3A : memref<!tpu.dma_semaphore, #tpu.memory_space<semaphore_mem>>)
      %dma_wait3A = tpu.memref_slice %arg8[%mul3A_40] : memref<10240xf32, #tpu.memory_space<vmem_shared>> -> memref<640xf32, #tpu.memory_space<vmem_shared>>
      %dma_wait3A_47 = tpu.memref_slice %arg8[%mul3A_40] : memref<10240xf32, #tpu.memory_space<vmem_shared>> -> memref<640xf32, #tpu.memory_space<vmem_shared>>
      tpu.wait_dma2 semaphore(%run_scoped3A : memref<!tpu.dma_semaphore, #tpu.memory_space<semaphore_mem>>) src(%dma_wait3A_47 : memref<640xf32, #tpu.memory_space<vmem_shared>>) dst(%arg7 : memref<640xf32, #tpu.memory_space<vmem>>)
      tpu.yield
    }) : () -> ()
    %mul3A_41 = arith.constant 10240 : i32
    %mul3A_42 = arith.muli %arg0, %mul3A_41 : i32
    %mul3A_43 = arith.constant 640 : i32
    %mul3A_44 = arith.muli %arg1, %mul3A_43 : i32
    %add3A_45 = arith.addi %mul3A_42, %mul3A_44 : i32
    "tpu.region"() ({
      %run_scoped3A = tpu.sem_alloc : memref<!tpu.dma_semaphore, #tpu.memory_space<semaphore_mem>>
      %dma_start3A = tpu.memref_slice %arg4[%add3A_45] : memref<20480xf32, #tpu.memory_space<hbm>> -> memref<640xf32, #tpu.memory_space<hbm>>
      %dma_start3A_46 = tpu.memref_slice %arg4[%add3A_45] : memref<20480xf32, #tpu.memory_space<hbm>> -> memref<640xf32, #tpu.memory_space<hbm>>
      tpu.enqueue_dma source(%arg7 : memref<640xf32, #tpu.memory_space<vmem>>) target(%dma_start3A_46 : memref<640xf32, #tpu.memory_space<hbm>>) target_semaphore(%run_scoped3A : memref<!tpu.dma_semaphore, #tpu.memory_space<semaphore_mem>>)
      %dma_wait3A = tpu.memref_slice %arg4[%add3A_45] : memref<20480xf32, #tpu.memory_space<hbm>> -> memref<640xf32, #tpu.memory_space<hbm>>
      %dma_wait3A_47 = tpu.memref_slice %arg4[%add3A_45] : memref<20480xf32, #tpu.memory_space<hbm>> -> memref<640xf32, #tpu.memory_space<hbm>>
      tpu.wait_dma2 semaphore(%run_scoped3A : memref<!tpu.dma_semaphore, #tpu.memory_space<semaphore_mem>>) src(%arg7 : memref<640xf32, #tpu.memory_space<vmem>>) dst(%dma_wait3A_47 : memref<640xf32, #tpu.memory_space<hbm>>)
      tpu.yield
    }) : () -> ()
    return
  }
}

#map = affine_map<(d0, d1) -> (0, 0)>
#map1 = affine_map<(d0, d1) -> (0, 0, 0)>
module attributes {stable_mosaic.version = 14 : i64} {
  func.func @_msg_sc(%arg0: i32, %arg1: i32, %arg2: memref<4096x80xi32, #tpu.memory_space<hbm>>, %arg3: memref<4096x80xi32, #tpu.memory_space<hbm>>, %arg4: memref<10240x64xf32, #tpu.memory_space<hbm>>, %arg5: memref<640x64xf32, #tpu.memory_space<hbm>>, %arg6: memref<2x10240x64xf32, #tpu.memory_space<hbm>>, %arg7: memref<128x80xi32, #tpu.memory_space<vmem>>, %arg8: memref<128x80xi32, #tpu.memory_space<vmem>>, %arg9: memref<2x80x64xf32, #tpu.memory_space<vmem>>, %arg10: memref<80x64xf32, #tpu.memory_space<vmem>>, %arg11: memref<10240x64xf32, #tpu.memory_space<vmem_shared>>, %arg12: memref<!tpu.dma_semaphore, #tpu.memory_space<semaphore_mem>>, %arg13: memref<!tpu.dma_semaphore, #tpu.memory_space<semaphore_mem>>) attributes {dimension_semantics = [#tpu.dimension_semantics<core_parallel>, #tpu.dimension_semantics<subcore_parallel>], iteration_bounds = array<i64: 2, 16>, scalar_prefetch = 0 : i64, scratch_operands = 7 : i64, tpu.core_type = #tpu.core_type<sc_vector_subcore>, window_params = [{transform_indices = #map}, {transform_indices = #map}, {transform_indices = #map}, {transform_indices = #map}, {transform_indices = #map1}]} {
    %mul3A = arith.constant 16 : i32
    %mul3A_0 = arith.muli %arg0, %mul3A : i32
    %add3A = arith.addi %mul3A_0, %arg1 : i32
    %mul3A_1 = arith.constant 640 : i32
    %mul3A_2 = arith.muli %arg1, %mul3A_1 : i32
    "tpu.region"() ({
      %run_scoped3A = tpu.sem_alloc : memref<!tpu.dma_semaphore, #tpu.memory_space<semaphore_mem>>
      %dma_start3A_187 = arith.constant 0 : i32
      %dma_start3A_188 = tpu.memref_slice %arg11[%mul3A_2, %dma_start3A_187] : memref<10240x64xf32, #tpu.memory_space<vmem_shared>> -> memref<640x64xf32, #tpu.memory_space<vmem_shared>>
      tpu.enqueue_dma source(%arg5 : memref<640x64xf32, #tpu.memory_space<hbm>>) target(%dma_start3A_188 : memref<640x64xf32, #tpu.memory_space<vmem_shared>>) target_semaphore(%run_scoped3A : memref<!tpu.dma_semaphore, #tpu.memory_space<semaphore_mem>>)
      %dma_wait3A_189 = arith.constant 0 : i32
      %dma_wait3A_190 = tpu.memref_slice %arg11[%mul3A_2, %dma_wait3A_189] : memref<10240x64xf32, #tpu.memory_space<vmem_shared>> -> memref<640x64xf32, #tpu.memory_space<vmem_shared>>
      tpu.wait_dma2 semaphore(%run_scoped3A : memref<!tpu.dma_semaphore, #tpu.memory_space<semaphore_mem>>) src(%arg5 : memref<640x64xf32, #tpu.memory_space<hbm>>) dst(%dma_wait3A_190 : memref<640x64xf32, #tpu.memory_space<vmem_shared>>)
      tpu.yield
    }) : () -> ()
    %mul3A_3 = arith.constant 128 : i32
    %mul3A_4 = arith.muli %add3A, %mul3A_3 : i32
    "tpu.region"() ({
      %run_scoped3A = tpu.sem_alloc : memref<!tpu.dma_semaphore, #tpu.memory_space<semaphore_mem>>
      %dma_start3A_187 = arith.constant 0 : i32
      %dma_start3A_188 = tpu.memref_slice %arg2[%mul3A_4, %dma_start3A_187] : memref<4096x80xi32, #tpu.memory_space<hbm>> -> memref<128x80xi32, #tpu.memory_space<hbm>>
      %dma_start3A_189 = arith.constant 0 : i32
      %dma_start3A_190 = tpu.memref_slice %arg2[%mul3A_4, %dma_start3A_189] : memref<4096x80xi32, #tpu.memory_space<hbm>> -> memref<128x80xi32, #tpu.memory_space<hbm>>
      tpu.enqueue_dma source(%dma_start3A_190 : memref<128x80xi32, #tpu.memory_space<hbm>>) target(%arg7 : memref<128x80xi32, #tpu.memory_space<vmem>>) target_semaphore(%run_scoped3A : memref<!tpu.dma_semaphore, #tpu.memory_space<semaphore_mem>>)
      %dma_wait3A_191 = arith.constant 0 : i32
      %dma_wait3A_192 = tpu.memref_slice %arg2[%mul3A_4, %dma_wait3A_191] : memref<4096x80xi32, #tpu.memory_space<hbm>> -> memref<128x80xi32, #tpu.memory_space<hbm>>
      %dma_wait3A_193 = arith.constant 0 : i32
      %dma_wait3A_194 = tpu.memref_slice %arg2[%mul3A_4, %dma_wait3A_193] : memref<4096x80xi32, #tpu.memory_space<hbm>> -> memref<128x80xi32, #tpu.memory_space<hbm>>
      tpu.wait_dma2 semaphore(%run_scoped3A : memref<!tpu.dma_semaphore, #tpu.memory_space<semaphore_mem>>) src(%dma_wait3A_194 : memref<128x80xi32, #tpu.memory_space<hbm>>) dst(%arg7 : memref<128x80xi32, #tpu.memory_space<vmem>>)
      tpu.yield
    }) : () -> ()
    %mul3A_5 = arith.constant 128 : i32
    %mul3A_6 = arith.muli %add3A, %mul3A_5 : i32
    "tpu.region"() ({
      %run_scoped3A = tpu.sem_alloc : memref<!tpu.dma_semaphore, #tpu.memory_space<semaphore_mem>>
      %dma_start3A_187 = arith.constant 0 : i32
      %dma_start3A_188 = tpu.memref_slice %arg3[%mul3A_6, %dma_start3A_187] : memref<4096x80xi32, #tpu.memory_space<hbm>> -> memref<128x80xi32, #tpu.memory_space<hbm>>
      %dma_start3A_189 = arith.constant 0 : i32
      %dma_start3A_190 = tpu.memref_slice %arg3[%mul3A_6, %dma_start3A_189] : memref<4096x80xi32, #tpu.memory_space<hbm>> -> memref<128x80xi32, #tpu.memory_space<hbm>>
      tpu.enqueue_dma source(%dma_start3A_190 : memref<128x80xi32, #tpu.memory_space<hbm>>) target(%arg8 : memref<128x80xi32, #tpu.memory_space<vmem>>) target_semaphore(%run_scoped3A : memref<!tpu.dma_semaphore, #tpu.memory_space<semaphore_mem>>)
      %dma_wait3A_191 = arith.constant 0 : i32
      %dma_wait3A_192 = tpu.memref_slice %arg3[%mul3A_6, %dma_wait3A_191] : memref<4096x80xi32, #tpu.memory_space<hbm>> -> memref<128x80xi32, #tpu.memory_space<hbm>>
      %dma_wait3A_193 = arith.constant 0 : i32
      %dma_wait3A_194 = tpu.memref_slice %arg3[%mul3A_6, %dma_wait3A_193] : memref<4096x80xi32, #tpu.memory_space<hbm>> -> memref<128x80xi32, #tpu.memory_space<hbm>>
      tpu.wait_dma2 semaphore(%run_scoped3A : memref<!tpu.dma_semaphore, #tpu.memory_space<semaphore_mem>>) src(%dma_wait3A_194 : memref<128x80xi32, #tpu.memory_space<hbm>>) dst(%arg8 : memref<128x80xi32, #tpu.memory_space<vmem>>)
      tpu.yield
    }) : () -> ()
    %barrier3A = arith.constant 0 : index
    tpu.barrier barrier_id(%barrier3A)
    %dma_start3A = arith.constant 0 : i32
    %dma_start3A_7 = arith.constant 0 : i32
    %dma_start3A_8 = arith.constant 0 : i32
    %dma_start3A_9 = arith.constant 0 : i32
    %dma_start3A_10 = tpu.memref_slice %arg9[%dma_start3A_7, %dma_start3A_8, %dma_start3A_9] : memref<2x80x64xf32, #tpu.memory_space<vmem>> -> memref<1x80x64xf32, #tpu.memory_space<vmem>>
    %dma_start3A_11 = tpu.memref_squeeze %dma_start3A_10 : memref<1x80x64xf32, #tpu.memory_space<vmem>> -> memref<80x64xf32, #tpu.memory_space<vmem>>
    %dma_start3A_12 = arith.constant 0 : i32
    %dma_start3A_13 = tpu.memref_slice %arg7[%dma_start3A, %dma_start3A_12] : memref<128x80xi32, #tpu.memory_space<vmem>> -> memref<1x80xi32, #tpu.memory_space<vmem>>
    %dma_start3A_14 = tpu.memref_squeeze %dma_start3A_13 : memref<1x80xi32, #tpu.memory_space<vmem>> -> memref<80xi32, #tpu.memory_space<vmem>>
    %dma_start3A_15 = arith.constant 0 : i32
    %dma_start3A_16 = arith.constant 0 : i32
    %dma_start3A_17 = tpu.memref_slice %arg4[%dma_start3A_15, %dma_start3A_16] : memref<10240x64xf32, #tpu.memory_space<hbm>> -> memref<10240x64xf32, #tpu.memory_space<hbm>>
    tpu.enqueue_indirect_dma source(%dma_start3A_17 : memref<10240x64xf32, #tpu.memory_space<hbm>>) target(%dma_start3A_11 : memref<80x64xf32, #tpu.memory_space<vmem>>) offsets(%dma_start3A_14 : memref<80xi32, #tpu.memory_space<vmem>>) semaphore(%arg12 : memref<!tpu.dma_semaphore, #tpu.memory_space<semaphore_mem>>)
    %dma_wait3A = arith.constant 0 : i32
    %dma_wait3A_18 = arith.constant 0 : i32
    %dma_wait3A_19 = arith.constant 0 : i32
    %dma_wait3A_20 = arith.constant 0 : i32
    %dma_wait3A_21 = tpu.memref_slice %arg9[%dma_wait3A_18, %dma_wait3A_19, %dma_wait3A_20] : memref<2x80x64xf32, #tpu.memory_space<vmem>> -> memref<1x80x64xf32, #tpu.memory_space<vmem>>
    %dma_wait3A_22 = tpu.memref_squeeze %dma_wait3A_21 : memref<1x80x64xf32, #tpu.memory_space<vmem>> -> memref<80x64xf32, #tpu.memory_space<vmem>>
    %dma_wait3A_23 = arith.constant 0 : i32
    %dma_wait3A_24 = tpu.memref_slice %arg7[%dma_wait3A, %dma_wait3A_23] : memref<128x80xi32, #tpu.memory_space<vmem>> -> memref<1x80xi32, #tpu.memory_space<vmem>>
    %dma_wait3A_25 = tpu.memref_squeeze %dma_wait3A_24 : memref<1x80xi32, #tpu.memory_space<vmem>> -> memref<80xi32, #tpu.memory_space<vmem>>
    %dma_wait3A_26 = arith.constant 0 : i32
    %dma_wait3A_27 = arith.constant 0 : i32
    %dma_wait3A_28 = tpu.memref_slice %arg4[%dma_wait3A_26, %dma_wait3A_27] : memref<10240x64xf32, #tpu.memory_space<hbm>> -> memref<10240x64xf32, #tpu.memory_space<hbm>>
    tpu.wait_indirect_dma semaphore(%arg12 : memref<!tpu.dma_semaphore, #tpu.memory_space<semaphore_mem>>) src(%dma_wait3A_28 : memref<10240x64xf32, #tpu.memory_space<hbm>>) dst(%dma_wait3A_22 : memref<80x64xf32, #tpu.memory_space<vmem>>)
    %dma_start3A_29 = arith.constant 0 : i32
    %dma_start3A_30 = arith.constant 0 : i32
    %dma_start3A_31 = arith.constant 0 : i32
    %dma_start3A_32 = arith.constant 0 : i32
    %dma_start3A_33 = tpu.memref_slice %arg9[%dma_start3A_29, %dma_start3A_31, %dma_start3A_32] : memref<2x80x64xf32, #tpu.memory_space<vmem>> -> memref<1x80x64xf32, #tpu.memory_space<vmem>>
    %dma_start3A_34 = tpu.memref_squeeze %dma_start3A_33 : memref<1x80x64xf32, #tpu.memory_space<vmem>> -> memref<80x64xf32, #tpu.memory_space<vmem>>
    %dma_start3A_35 = arith.constant 0 : i32
    %dma_start3A_36 = tpu.memref_slice %arg8[%dma_start3A_30, %dma_start3A_35] : memref<128x80xi32, #tpu.memory_space<vmem>> -> memref<1x80xi32, #tpu.memory_space<vmem>>
    %dma_start3A_37 = tpu.memref_squeeze %dma_start3A_36 : memref<1x80xi32, #tpu.memory_space<vmem>> -> memref<80xi32, #tpu.memory_space<vmem>>
    %dma_start3A_38 = arith.constant 0 : i32
    %dma_start3A_39 = arith.constant 0 : i32
    %dma_start3A_40 = tpu.memref_slice %arg11[%dma_start3A_38, %dma_start3A_39] : memref<10240x64xf32, #tpu.memory_space<vmem_shared>> -> memref<10240x64xf32, #tpu.memory_space<vmem_shared>>
    tpu.enqueue_indirect_dma source(%dma_start3A_34 : memref<80x64xf32, #tpu.memory_space<vmem>>) target(%dma_start3A_40 : memref<10240x64xf32, #tpu.memory_space<vmem_shared>>) offsets(%dma_start3A_37 : memref<80xi32, #tpu.memory_space<vmem>>) semaphore(%arg13 : memref<!tpu.dma_semaphore, #tpu.memory_space<semaphore_mem>>) {add = true}
    %dma_start3A_41 = arith.constant 1 : i32
    %dma_start3A_42 = arith.constant 1 : i32
    %dma_start3A_43 = arith.constant 0 : i32
    %dma_start3A_44 = arith.constant 0 : i32
    %dma_start3A_45 = tpu.memref_slice %arg9[%dma_start3A_42, %dma_start3A_43, %dma_start3A_44] : memref<2x80x64xf32, #tpu.memory_space<vmem>> -> memref<1x80x64xf32, #tpu.memory_space<vmem>>
    %dma_start3A_46 = tpu.memref_squeeze %dma_start3A_45 : memref<1x80x64xf32, #tpu.memory_space<vmem>> -> memref<80x64xf32, #tpu.memory_space<vmem>>
    %dma_start3A_47 = arith.constant 0 : i32
    %dma_start3A_48 = tpu.memref_slice %arg7[%dma_start3A_41, %dma_start3A_47] : memref<128x80xi32, #tpu.memory_space<vmem>> -> memref<1x80xi32, #tpu.memory_space<vmem>>
    %dma_start3A_49 = tpu.memref_squeeze %dma_start3A_48 : memref<1x80xi32, #tpu.memory_space<vmem>> -> memref<80xi32, #tpu.memory_space<vmem>>
    %dma_start3A_50 = arith.constant 0 : i32
    %dma_start3A_51 = arith.constant 0 : i32
    %dma_start3A_52 = tpu.memref_slice %arg4[%dma_start3A_50, %dma_start3A_51] : memref<10240x64xf32, #tpu.memory_space<hbm>> -> memref<10240x64xf32, #tpu.memory_space<hbm>>
    tpu.enqueue_indirect_dma source(%dma_start3A_52 : memref<10240x64xf32, #tpu.memory_space<hbm>>) target(%dma_start3A_46 : memref<80x64xf32, #tpu.memory_space<vmem>>) offsets(%dma_start3A_49 : memref<80xi32, #tpu.memory_space<vmem>>) semaphore(%arg12 : memref<!tpu.dma_semaphore, #tpu.memory_space<semaphore_mem>>)
    %scan3A = arith.constant 0 : i32
    %scan3A_53 = arith.constant 0 : i32
    %scan3A_54 = arith.constant 61 : i32
    %scan3A_55 = arith.addi %scan3A_53, %scan3A_54 : i32
    %scan3A_56 = arith.constant 1 : i32
    scf.for %scan3A_187 = %scan3A_53 to %scan3A_55 step %scan3A_56  : i32 {
      %mul3A_188 = arith.constant 2 : i32
      %mul3A_189 = arith.muli %mul3A_188, %scan3A_187 : i32
      %add3A_190 = arith.constant 1 : i32
      %add3A_191 = arith.addi %add3A_190, %mul3A_189 : i32
      %dma_wait3A_192 = arith.constant 0 : i32
      %dma_wait3A_193 = arith.constant 1 : i32
      %dma_wait3A_194 = arith.constant 0 : i32
      %dma_wait3A_195 = arith.constant 0 : i32
      %dma_wait3A_196 = tpu.memref_slice %arg9[%dma_wait3A_193, %dma_wait3A_194, %dma_wait3A_195] : memref<2x80x64xf32, #tpu.memory_space<vmem>> -> memref<1x80x64xf32, #tpu.memory_space<vmem>>
      %dma_wait3A_197 = tpu.memref_squeeze %dma_wait3A_196 : memref<1x80x64xf32, #tpu.memory_space<vmem>> -> memref<80x64xf32, #tpu.memory_space<vmem>>
      %dma_wait3A_198 = arith.constant 0 : i32
      %dma_wait3A_199 = tpu.memref_slice %arg7[%dma_wait3A_192, %dma_wait3A_198] : memref<128x80xi32, #tpu.memory_space<vmem>> -> memref<1x80xi32, #tpu.memory_space<vmem>>
      %dma_wait3A_200 = tpu.memref_squeeze %dma_wait3A_199 : memref<1x80xi32, #tpu.memory_space<vmem>> -> memref<80xi32, #tpu.memory_space<vmem>>
      %dma_wait3A_201 = arith.constant 0 : i32
      %dma_wait3A_202 = arith.constant 0 : i32
      %dma_wait3A_203 = tpu.memref_slice %arg4[%dma_wait3A_201, %dma_wait3A_202] : memref<10240x64xf32, #tpu.memory_space<hbm>> -> memref<10240x64xf32, #tpu.memory_space<hbm>>
      tpu.wait_indirect_dma semaphore(%arg12 : memref<!tpu.dma_semaphore, #tpu.memory_space<semaphore_mem>>) src(%dma_wait3A_203 : memref<10240x64xf32, #tpu.memory_space<hbm>>) dst(%dma_wait3A_197 : memref<80x64xf32, #tpu.memory_space<vmem>>)
      %dma_start3A_204 = arith.constant 1 : i32
      %dma_start3A_205 = arith.constant 0 : i32
      %dma_start3A_206 = arith.constant 0 : i32
      %dma_start3A_207 = tpu.memref_slice %arg9[%dma_start3A_204, %dma_start3A_205, %dma_start3A_206] : memref<2x80x64xf32, #tpu.memory_space<vmem>> -> memref<1x80x64xf32, #tpu.memory_space<vmem>>
      %dma_start3A_208 = tpu.memref_squeeze %dma_start3A_207 : memref<1x80x64xf32, #tpu.memory_space<vmem>> -> memref<80x64xf32, #tpu.memory_space<vmem>>
      %dma_start3A_209 = arith.constant 0 : i32
      %dma_start3A_210 = tpu.memref_slice %arg8[%add3A_191, %dma_start3A_209] : memref<128x80xi32, #tpu.memory_space<vmem>> -> memref<1x80xi32, #tpu.memory_space<vmem>>
      %dma_start3A_211 = tpu.memref_squeeze %dma_start3A_210 : memref<1x80xi32, #tpu.memory_space<vmem>> -> memref<80xi32, #tpu.memory_space<vmem>>
      %dma_start3A_212 = arith.constant 0 : i32
      %dma_start3A_213 = arith.constant 0 : i32
      %dma_start3A_214 = tpu.memref_slice %arg11[%dma_start3A_212, %dma_start3A_213] : memref<10240x64xf32, #tpu.memory_space<vmem_shared>> -> memref<10240x64xf32, #tpu.memory_space<vmem_shared>>
      tpu.enqueue_indirect_dma source(%dma_start3A_208 : memref<80x64xf32, #tpu.memory_space<vmem>>) target(%dma_start3A_214 : memref<10240x64xf32, #tpu.memory_space<vmem_shared>>) offsets(%dma_start3A_211 : memref<80xi32, #tpu.memory_space<vmem>>) semaphore(%arg13 : memref<!tpu.dma_semaphore, #tpu.memory_space<semaphore_mem>>) {add = true}
      %dma_wait3A_215 = arith.constant 0 : i32
      %dma_wait3A_216 = arith.constant 0 : i32
      %dma_wait3A_217 = arith.constant 0 : i32
      %dma_wait3A_218 = arith.constant 0 : i32
      %dma_wait3A_219 = tpu.memref_slice %arg9[%dma_wait3A_215, %dma_wait3A_217, %dma_wait3A_218] : memref<2x80x64xf32, #tpu.memory_space<vmem>> -> memref<1x80x64xf32, #tpu.memory_space<vmem>>
      %dma_wait3A_220 = tpu.memref_squeeze %dma_wait3A_219 : memref<1x80x64xf32, #tpu.memory_space<vmem>> -> memref<80x64xf32, #tpu.memory_space<vmem>>
      %dma_wait3A_221 = arith.constant 0 : i32
      %dma_wait3A_222 = tpu.memref_slice %arg8[%dma_wait3A_216, %dma_wait3A_221] : memref<128x80xi32, #tpu.memory_space<vmem>> -> memref<1x80xi32, #tpu.memory_space<vmem>>
      %dma_wait3A_223 = tpu.memref_squeeze %dma_wait3A_222 : memref<1x80xi32, #tpu.memory_space<vmem>> -> memref<80xi32, #tpu.memory_space<vmem>>
      %dma_wait3A_224 = arith.constant 0 : i32
      %dma_wait3A_225 = arith.constant 0 : i32
      %dma_wait3A_226 = tpu.memref_slice %arg11[%dma_wait3A_224, %dma_wait3A_225] : memref<10240x64xf32, #tpu.memory_space<vmem_shared>> -> memref<10240x64xf32, #tpu.memory_space<vmem_shared>>
      tpu.wait_indirect_dma semaphore(%arg13 : memref<!tpu.dma_semaphore, #tpu.memory_space<semaphore_mem>>) src(%dma_wait3A_220 : memref<80x64xf32, #tpu.memory_space<vmem>>) dst(%dma_wait3A_226 : memref<10240x64xf32, #tpu.memory_space<vmem_shared>>)
      %add3A_227 = arith.constant 1 : i32
      %add3A_228 = arith.addi %add3A_191, %add3A_227 : i32
      %dma_start3A_229 = arith.constant 0 : i32
      %dma_start3A_230 = arith.constant 0 : i32
      %dma_start3A_231 = arith.constant 0 : i32
      %dma_start3A_232 = tpu.memref_slice %arg9[%dma_start3A_229, %dma_start3A_230, %dma_start3A_231] : memref<2x80x64xf32, #tpu.memory_space<vmem>> -> memref<1x80x64xf32, #tpu.memory_space<vmem>>
      %dma_start3A_233 = tpu.memref_squeeze %dma_start3A_232 : memref<1x80x64xf32, #tpu.memory_space<vmem>> -> memref<80x64xf32, #tpu.memory_space<vmem>>
      %dma_start3A_234 = arith.constant 0 : i32
      %dma_start3A_235 = tpu.memref_slice %arg7[%add3A_228, %dma_start3A_234] : memref<128x80xi32, #tpu.memory_space<vmem>> -> memref<1x80xi32, #tpu.memory_space<vmem>>
      %dma_start3A_236 = tpu.memref_squeeze %dma_start3A_235 : memref<1x80xi32, #tpu.memory_space<vmem>> -> memref<80xi32, #tpu.memory_space<vmem>>
      %dma_start3A_237 = arith.constant 0 : i32
      %dma_start3A_238 = arith.constant 0 : i32
      %dma_start3A_239 = tpu.memref_slice %arg4[%dma_start3A_237, %dma_start3A_238] : memref<10240x64xf32, #tpu.memory_space<hbm>> -> memref<10240x64xf32, #tpu.memory_space<hbm>>
      tpu.enqueue_indirect_dma source(%dma_start3A_239 : memref<10240x64xf32, #tpu.memory_space<hbm>>) target(%dma_start3A_233 : memref<80x64xf32, #tpu.memory_space<vmem>>) offsets(%dma_start3A_236 : memref<80xi32, #tpu.memory_space<vmem>>) semaphore(%arg12 : memref<!tpu.dma_semaphore, #tpu.memory_space<semaphore_mem>>)
      %dma_wait3A_240 = arith.constant 0 : i32
      %dma_wait3A_241 = arith.constant 0 : i32
      %dma_wait3A_242 = arith.constant 0 : i32
      %dma_wait3A_243 = arith.constant 0 : i32
      %dma_wait3A_244 = tpu.memref_slice %arg9[%dma_wait3A_241, %dma_wait3A_242, %dma_wait3A_243] : memref<2x80x64xf32, #tpu.memory_space<vmem>> -> memref<1x80x64xf32, #tpu.memory_space<vmem>>
      %dma_wait3A_245 = tpu.memref_squeeze %dma_wait3A_244 : memref<1x80x64xf32, #tpu.memory_space<vmem>> -> memref<80x64xf32, #tpu.memory_space<vmem>>
      %dma_wait3A_246 = arith.constant 0 : i32
      %dma_wait3A_247 = tpu.memref_slice %arg7[%dma_wait3A_240, %dma_wait3A_246] : memref<128x80xi32, #tpu.memory_space<vmem>> -> memref<1x80xi32, #tpu.memory_space<vmem>>
      %dma_wait3A_248 = tpu.memref_squeeze %dma_wait3A_247 : memref<1x80xi32, #tpu.memory_space<vmem>> -> memref<80xi32, #tpu.memory_space<vmem>>
      %dma_wait3A_249 = arith.constant 0 : i32
      %dma_wait3A_250 = arith.constant 0 : i32
      %dma_wait3A_251 = tpu.memref_slice %arg4[%dma_wait3A_249, %dma_wait3A_250] : memref<10240x64xf32, #tpu.memory_space<hbm>> -> memref<10240x64xf32, #tpu.memory_space<hbm>>
      tpu.wait_indirect_dma semaphore(%arg12 : memref<!tpu.dma_semaphore, #tpu.memory_space<semaphore_mem>>) src(%dma_wait3A_251 : memref<10240x64xf32, #tpu.memory_space<hbm>>) dst(%dma_wait3A_245 : memref<80x64xf32, #tpu.memory_space<vmem>>)
      %add3A_252 = arith.constant 1 : i32
      %add3A_253 = arith.addi %add3A_191, %add3A_252 : i32
      %dma_start3A_254 = arith.constant 0 : i32
      %dma_start3A_255 = arith.constant 0 : i32
      %dma_start3A_256 = arith.constant 0 : i32
      %dma_start3A_257 = tpu.memref_slice %arg9[%dma_start3A_254, %dma_start3A_255, %dma_start3A_256] : memref<2x80x64xf32, #tpu.memory_space<vmem>> -> memref<1x80x64xf32, #tpu.memory_space<vmem>>
      %dma_start3A_258 = tpu.memref_squeeze %dma_start3A_257 : memref<1x80x64xf32, #tpu.memory_space<vmem>> -> memref<80x64xf32, #tpu.memory_space<vmem>>
      %dma_start3A_259 = arith.constant 0 : i32
      %dma_start3A_260 = tpu.memref_slice %arg8[%add3A_253, %dma_start3A_259] : memref<128x80xi32, #tpu.memory_space<vmem>> -> memref<1x80xi32, #tpu.memory_space<vmem>>
      %dma_start3A_261 = tpu.memref_squeeze %dma_start3A_260 : memref<1x80xi32, #tpu.memory_space<vmem>> -> memref<80xi32, #tpu.memory_space<vmem>>
      %dma_start3A_262 = arith.constant 0 : i32
      %dma_start3A_263 = arith.constant 0 : i32
      %dma_start3A_264 = tpu.memref_slice %arg11[%dma_start3A_262, %dma_start3A_263] : memref<10240x64xf32, #tpu.memory_space<vmem_shared>> -> memref<10240x64xf32, #tpu.memory_space<vmem_shared>>
      tpu.enqueue_indirect_dma source(%dma_start3A_258 : memref<80x64xf32, #tpu.memory_space<vmem>>) target(%dma_start3A_264 : memref<10240x64xf32, #tpu.memory_space<vmem_shared>>) offsets(%dma_start3A_261 : memref<80xi32, #tpu.memory_space<vmem>>) semaphore(%arg13 : memref<!tpu.dma_semaphore, #tpu.memory_space<semaphore_mem>>) {add = true}
      %dma_wait3A_265 = arith.constant 1 : i32
      %dma_wait3A_266 = arith.constant 0 : i32
      %dma_wait3A_267 = arith.constant 0 : i32
      %dma_wait3A_268 = arith.constant 0 : i32
      %dma_wait3A_269 = tpu.memref_slice %arg9[%dma_wait3A_265, %dma_wait3A_267, %dma_wait3A_268] : memref<2x80x64xf32, #tpu.memory_space<vmem>> -> memref<1x80x64xf32, #tpu.memory_space<vmem>>
      %dma_wait3A_270 = tpu.memref_squeeze %dma_wait3A_269 : memref<1x80x64xf32, #tpu.memory_space<vmem>> -> memref<80x64xf32, #tpu.memory_space<vmem>>
      %dma_wait3A_271 = arith.constant 0 : i32
      %dma_wait3A_272 = tpu.memref_slice %arg8[%dma_wait3A_266, %dma_wait3A_271] : memref<128x80xi32, #tpu.memory_space<vmem>> -> memref<1x80xi32, #tpu.memory_space<vmem>>
      %dma_wait3A_273 = tpu.memref_squeeze %dma_wait3A_272 : memref<1x80xi32, #tpu.memory_space<vmem>> -> memref<80xi32, #tpu.memory_space<vmem>>
      %dma_wait3A_274 = arith.constant 0 : i32
      %dma_wait3A_275 = arith.constant 0 : i32
      %dma_wait3A_276 = tpu.memref_slice %arg11[%dma_wait3A_274, %dma_wait3A_275] : memref<10240x64xf32, #tpu.memory_space<vmem_shared>> -> memref<10240x64xf32, #tpu.memory_space<vmem_shared>>
      tpu.wait_indirect_dma semaphore(%arg13 : memref<!tpu.dma_semaphore, #tpu.memory_space<semaphore_mem>>) src(%dma_wait3A_270 : memref<80x64xf32, #tpu.memory_space<vmem>>) dst(%dma_wait3A_276 : memref<10240x64xf32, #tpu.memory_space<vmem_shared>>)
      %add3A_277 = arith.constant 2 : i32
      %add3A_278 = arith.addi %add3A_191, %add3A_277 : i32
      %dma_start3A_279 = arith.constant 1 : i32
      %dma_start3A_280 = arith.constant 0 : i32
      %dma_start3A_281 = arith.constant 0 : i32
      %dma_start3A_282 = tpu.memref_slice %arg9[%dma_start3A_279, %dma_start3A_280, %dma_start3A_281] : memref<2x80x64xf32, #tpu.memory_space<vmem>> -> memref<1x80x64xf32, #tpu.memory_space<vmem>>
      %dma_start3A_283 = tpu.memref_squeeze %dma_start3A_282 : memref<1x80x64xf32, #tpu.memory_space<vmem>> -> memref<80x64xf32, #tpu.memory_space<vmem>>
      %dma_start3A_284 = arith.constant 0 : i32
      %dma_start3A_285 = tpu.memref_slice %arg7[%add3A_278, %dma_start3A_284] : memref<128x80xi32, #tpu.memory_space<vmem>> -> memref<1x80xi32, #tpu.memory_space<vmem>>
      %dma_start3A_286 = tpu.memref_squeeze %dma_start3A_285 : memref<1x80xi32, #tpu.memory_space<vmem>> -> memref<80xi32, #tpu.memory_space<vmem>>
      %dma_start3A_287 = arith.constant 0 : i32
      %dma_start3A_288 = arith.constant 0 : i32
      %dma_start3A_289 = tpu.memref_slice %arg4[%dma_start3A_287, %dma_start3A_288] : memref<10240x64xf32, #tpu.memory_space<hbm>> -> memref<10240x64xf32, #tpu.memory_space<hbm>>
      tpu.enqueue_indirect_dma source(%dma_start3A_289 : memref<10240x64xf32, #tpu.memory_space<hbm>>) target(%dma_start3A_283 : memref<80x64xf32, #tpu.memory_space<vmem>>) offsets(%dma_start3A_286 : memref<80xi32, #tpu.memory_space<vmem>>) semaphore(%arg12 : memref<!tpu.dma_semaphore, #tpu.memory_space<semaphore_mem>>)
    }
    %scan3A_57 = arith.constant 61 : i32
    %dma_wait3A_58 = arith.constant 0 : i32
    %dma_wait3A_59 = arith.constant 1 : i32
    %dma_wait3A_60 = arith.constant 0 : i32
    %dma_wait3A_61 = arith.constant 0 : i32
    %dma_wait3A_62 = tpu.memref_slice %arg9[%dma_wait3A_59, %dma_wait3A_60, %dma_wait3A_61] : memref<2x80x64xf32, #tpu.memory_space<vmem>> -> memref<1x80x64xf32, #tpu.memory_space<vmem>>
    %dma_wait3A_63 = tpu.memref_squeeze %dma_wait3A_62 : memref<1x80x64xf32, #tpu.memory_space<vmem>> -> memref<80x64xf32, #tpu.memory_space<vmem>>
    %dma_wait3A_64 = arith.constant 0 : i32
    %dma_wait3A_65 = tpu.memref_slice %arg7[%dma_wait3A_58, %dma_wait3A_64] : memref<128x80xi32, #tpu.memory_space<vmem>> -> memref<1x80xi32, #tpu.memory_space<vmem>>
    %dma_wait3A_66 = tpu.memref_squeeze %dma_wait3A_65 : memref<1x80xi32, #tpu.memory_space<vmem>> -> memref<80xi32, #tpu.memory_space<vmem>>
    %dma_wait3A_67 = arith.constant 0 : i32
    %dma_wait3A_68 = arith.constant 0 : i32
    %dma_wait3A_69 = tpu.memref_slice %arg4[%dma_wait3A_67, %dma_wait3A_68] : memref<10240x64xf32, #tpu.memory_space<hbm>> -> memref<10240x64xf32, #tpu.memory_space<hbm>>
    tpu.wait_indirect_dma semaphore(%arg12 : memref<!tpu.dma_semaphore, #tpu.memory_space<semaphore_mem>>) src(%dma_wait3A_69 : memref<10240x64xf32, #tpu.memory_space<hbm>>) dst(%dma_wait3A_63 : memref<80x64xf32, #tpu.memory_space<vmem>>)
    %dma_start3A_70 = arith.constant 1 : i32
    %dma_start3A_71 = arith.constant 123 : i32
    %dma_start3A_72 = arith.constant 0 : i32
    %dma_start3A_73 = arith.constant 0 : i32
    %dma_start3A_74 = tpu.memref_slice %arg9[%dma_start3A_70, %dma_start3A_72, %dma_start3A_73] : memref<2x80x64xf32, #tpu.memory_space<vmem>> -> memref<1x80x64xf32, #tpu.memory_space<vmem>>
    %dma_start3A_75 = tpu.memref_squeeze %dma_start3A_74 : memref<1x80x64xf32, #tpu.memory_space<vmem>> -> memref<80x64xf32, #tpu.memory_space<vmem>>
    %dma_start3A_76 = arith.constant 0 : i32
    %dma_start3A_77 = tpu.memref_slice %arg8[%dma_start3A_71, %dma_start3A_76] : memref<128x80xi32, #tpu.memory_space<vmem>> -> memref<1x80xi32, #tpu.memory_space<vmem>>
    %dma_start3A_78 = tpu.memref_squeeze %dma_start3A_77 : memref<1x80xi32, #tpu.memory_space<vmem>> -> memref<80xi32, #tpu.memory_space<vmem>>
    %dma_start3A_79 = arith.constant 0 : i32
    %dma_start3A_80 = arith.constant 0 : i32
    %dma_start3A_81 = tpu.memref_slice %arg11[%dma_start3A_79, %dma_start3A_80] : memref<10240x64xf32, #tpu.memory_space<vmem_shared>> -> memref<10240x64xf32, #tpu.memory_space<vmem_shared>>
    tpu.enqueue_indirect_dma source(%dma_start3A_75 : memref<80x64xf32, #tpu.memory_space<vmem>>) target(%dma_start3A_81 : memref<10240x64xf32, #tpu.memory_space<vmem_shared>>) offsets(%dma_start3A_78 : memref<80xi32, #tpu.memory_space<vmem>>) semaphore(%arg13 : memref<!tpu.dma_semaphore, #tpu.memory_space<semaphore_mem>>) {add = true}
    %dma_wait3A_82 = arith.constant 0 : i32
    %dma_wait3A_83 = arith.constant 0 : i32
    %dma_wait3A_84 = arith.constant 0 : i32
    %dma_wait3A_85 = arith.constant 0 : i32
    %dma_wait3A_86 = tpu.memref_slice %arg9[%dma_wait3A_82, %dma_wait3A_84, %dma_wait3A_85] : memref<2x80x64xf32, #tpu.memory_space<vmem>> -> memref<1x80x64xf32, #tpu.memory_space<vmem>>
    %dma_wait3A_87 = tpu.memref_squeeze %dma_wait3A_86 : memref<1x80x64xf32, #tpu.memory_space<vmem>> -> memref<80x64xf32, #tpu.memory_space<vmem>>
    %dma_wait3A_88 = arith.constant 0 : i32
    %dma_wait3A_89 = tpu.memref_slice %arg8[%dma_wait3A_83, %dma_wait3A_88] : memref<128x80xi32, #tpu.memory_space<vmem>> -> memref<1x80xi32, #tpu.memory_space<vmem>>
    %dma_wait3A_90 = tpu.memref_squeeze %dma_wait3A_89 : memref<1x80xi32, #tpu.memory_space<vmem>> -> memref<80xi32, #tpu.memory_space<vmem>>
    %dma_wait3A_91 = arith.constant 0 : i32
    %dma_wait3A_92 = arith.constant 0 : i32
    %dma_wait3A_93 = tpu.memref_slice %arg11[%dma_wait3A_91, %dma_wait3A_92] : memref<10240x64xf32, #tpu.memory_space<vmem_shared>> -> memref<10240x64xf32, #tpu.memory_space<vmem_shared>>
    tpu.wait_indirect_dma semaphore(%arg13 : memref<!tpu.dma_semaphore, #tpu.memory_space<semaphore_mem>>) src(%dma_wait3A_87 : memref<80x64xf32, #tpu.memory_space<vmem>>) dst(%dma_wait3A_93 : memref<10240x64xf32, #tpu.memory_space<vmem_shared>>)
    %dma_start3A_94 = arith.constant 124 : i32
    %dma_start3A_95 = arith.constant 0 : i32
    %dma_start3A_96 = arith.constant 0 : i32
    %dma_start3A_97 = arith.constant 0 : i32
    %dma_start3A_98 = tpu.memref_slice %arg9[%dma_start3A_95, %dma_start3A_96, %dma_start3A_97] : memref<2x80x64xf32, #tpu.memory_space<vmem>> -> memref<1x80x64xf32, #tpu.memory_space<vmem>>
    %dma_start3A_99 = tpu.memref_squeeze %dma_start3A_98 : memref<1x80x64xf32, #tpu.memory_space<vmem>> -> memref<80x64xf32, #tpu.memory_space<vmem>>
    %dma_start3A_100 = arith.constant 0 : i32
    %dma_start3A_101 = tpu.memref_slice %arg7[%dma_start3A_94, %dma_start3A_100] : memref<128x80xi32, #tpu.memory_space<vmem>> -> memref<1x80xi32, #tpu.memory_space<vmem>>
    %dma_start3A_102 = tpu.memref_squeeze %dma_start3A_101 : memref<1x80xi32, #tpu.memory_space<vmem>> -> memref<80xi32, #tpu.memory_space<vmem>>
    %dma_start3A_103 = arith.constant 0 : i32
    %dma_start3A_104 = arith.constant 0 : i32
    %dma_start3A_105 = tpu.memref_slice %arg4[%dma_start3A_103, %dma_start3A_104] : memref<10240x64xf32, #tpu.memory_space<hbm>> -> memref<10240x64xf32, #tpu.memory_space<hbm>>
    tpu.enqueue_indirect_dma source(%dma_start3A_105 : memref<10240x64xf32, #tpu.memory_space<hbm>>) target(%dma_start3A_99 : memref<80x64xf32, #tpu.memory_space<vmem>>) offsets(%dma_start3A_102 : memref<80xi32, #tpu.memory_space<vmem>>) semaphore(%arg12 : memref<!tpu.dma_semaphore, #tpu.memory_space<semaphore_mem>>)
    %dma_wait3A_106 = arith.constant 0 : i32
    %dma_wait3A_107 = arith.constant 0 : i32
    %dma_wait3A_108 = arith.constant 0 : i32
    %dma_wait3A_109 = arith.constant 0 : i32
    %dma_wait3A_110 = tpu.memref_slice %arg9[%dma_wait3A_107, %dma_wait3A_108, %dma_wait3A_109] : memref<2x80x64xf32, #tpu.memory_space<vmem>> -> memref<1x80x64xf32, #tpu.memory_space<vmem>>
    %dma_wait3A_111 = tpu.memref_squeeze %dma_wait3A_110 : memref<1x80x64xf32, #tpu.memory_space<vmem>> -> memref<80x64xf32, #tpu.memory_space<vmem>>
    %dma_wait3A_112 = arith.constant 0 : i32
    %dma_wait3A_113 = tpu.memref_slice %arg7[%dma_wait3A_106, %dma_wait3A_112] : memref<128x80xi32, #tpu.memory_space<vmem>> -> memref<1x80xi32, #tpu.memory_space<vmem>>
    %dma_wait3A_114 = tpu.memref_squeeze %dma_wait3A_113 : memref<1x80xi32, #tpu.memory_space<vmem>> -> memref<80xi32, #tpu.memory_space<vmem>>
    %dma_wait3A_115 = arith.constant 0 : i32
    %dma_wait3A_116 = arith.constant 0 : i32
    %dma_wait3A_117 = tpu.memref_slice %arg4[%dma_wait3A_115, %dma_wait3A_116] : memref<10240x64xf32, #tpu.memory_space<hbm>> -> memref<10240x64xf32, #tpu.memory_space<hbm>>
    tpu.wait_indirect_dma semaphore(%arg12 : memref<!tpu.dma_semaphore, #tpu.memory_space<semaphore_mem>>) src(%dma_wait3A_117 : memref<10240x64xf32, #tpu.memory_space<hbm>>) dst(%dma_wait3A_111 : memref<80x64xf32, #tpu.memory_space<vmem>>)
    %dma_start3A_118 = arith.constant 0 : i32
    %dma_start3A_119 = arith.constant 124 : i32
    %dma_start3A_120 = arith.constant 0 : i32
    %dma_start3A_121 = arith.constant 0 : i32
    %dma_start3A_122 = tpu.memref_slice %arg9[%dma_start3A_118, %dma_start3A_120, %dma_start3A_121] : memref<2x80x64xf32, #tpu.memory_space<vmem>> -> memref<1x80x64xf32, #tpu.memory_space<vmem>>
    %dma_start3A_123 = tpu.memref_squeeze %dma_start3A_122 : memref<1x80x64xf32, #tpu.memory_space<vmem>> -> memref<80x64xf32, #tpu.memory_space<vmem>>
    %dma_start3A_124 = arith.constant 0 : i32
    %dma_start3A_125 = tpu.memref_slice %arg8[%dma_start3A_119, %dma_start3A_124] : memref<128x80xi32, #tpu.memory_space<vmem>> -> memref<1x80xi32, #tpu.memory_space<vmem>>
    %dma_start3A_126 = tpu.memref_squeeze %dma_start3A_125 : memref<1x80xi32, #tpu.memory_space<vmem>> -> memref<80xi32, #tpu.memory_space<vmem>>
    %dma_start3A_127 = arith.constant 0 : i32
    %dma_start3A_128 = arith.constant 0 : i32
    %dma_start3A_129 = tpu.memref_slice %arg11[%dma_start3A_127, %dma_start3A_128] : memref<10240x64xf32, #tpu.memory_space<vmem_shared>> -> memref<10240x64xf32, #tpu.memory_space<vmem_shared>>
    tpu.enqueue_indirect_dma source(%dma_start3A_123 : memref<80x64xf32, #tpu.memory_space<vmem>>) target(%dma_start3A_129 : memref<10240x64xf32, #tpu.memory_space<vmem_shared>>) offsets(%dma_start3A_126 : memref<80xi32, #tpu.memory_space<vmem>>) semaphore(%arg13 : memref<!tpu.dma_semaphore, #tpu.memory_space<semaphore_mem>>) {add = true}
    %dma_wait3A_130 = arith.constant 1 : i32
    %dma_wait3A_131 = arith.constant 0 : i32
    %dma_wait3A_132 = arith.constant 0 : i32
    %dma_wait3A_133 = arith.constant 0 : i32
    %dma_wait3A_134 = tpu.memref_slice %arg9[%dma_wait3A_130, %dma_wait3A_132, %dma_wait3A_133] : memref<2x80x64xf32, #tpu.memory_space<vmem>> -> memref<1x80x64xf32, #tpu.memory_space<vmem>>
    %dma_wait3A_135 = tpu.memref_squeeze %dma_wait3A_134 : memref<1x80x64xf32, #tpu.memory_space<vmem>> -> memref<80x64xf32, #tpu.memory_space<vmem>>
    %dma_wait3A_136 = arith.constant 0 : i32
    %dma_wait3A_137 = tpu.memref_slice %arg8[%dma_wait3A_131, %dma_wait3A_136] : memref<128x80xi32, #tpu.memory_space<vmem>> -> memref<1x80xi32, #tpu.memory_space<vmem>>
    %dma_wait3A_138 = tpu.memref_squeeze %dma_wait3A_137 : memref<1x80xi32, #tpu.memory_space<vmem>> -> memref<80xi32, #tpu.memory_space<vmem>>
    %dma_wait3A_139 = arith.constant 0 : i32
    %dma_wait3A_140 = arith.constant 0 : i32
    %dma_wait3A_141 = tpu.memref_slice %arg11[%dma_wait3A_139, %dma_wait3A_140] : memref<10240x64xf32, #tpu.memory_space<vmem_shared>> -> memref<10240x64xf32, #tpu.memory_space<vmem_shared>>
    tpu.wait_indirect_dma semaphore(%arg13 : memref<!tpu.dma_semaphore, #tpu.memory_space<semaphore_mem>>) src(%dma_wait3A_135 : memref<80x64xf32, #tpu.memory_space<vmem>>) dst(%dma_wait3A_141 : memref<10240x64xf32, #tpu.memory_space<vmem_shared>>)
    %dma_wait3A_142 = arith.constant 0 : i32
    %dma_wait3A_143 = arith.constant 0 : i32
    %dma_wait3A_144 = arith.constant 0 : i32
    %dma_wait3A_145 = arith.constant 0 : i32
    %dma_wait3A_146 = tpu.memref_slice %arg9[%dma_wait3A_142, %dma_wait3A_144, %dma_wait3A_145] : memref<2x80x64xf32, #tpu.memory_space<vmem>> -> memref<1x80x64xf32, #tpu.memory_space<vmem>>
    %dma_wait3A_147 = tpu.memref_squeeze %dma_wait3A_146 : memref<1x80x64xf32, #tpu.memory_space<vmem>> -> memref<80x64xf32, #tpu.memory_space<vmem>>
    %dma_wait3A_148 = arith.constant 0 : i32
    %dma_wait3A_149 = tpu.memref_slice %arg8[%dma_wait3A_143, %dma_wait3A_148] : memref<128x80xi32, #tpu.memory_space<vmem>> -> memref<1x80xi32, #tpu.memory_space<vmem>>
    %dma_wait3A_150 = tpu.memref_squeeze %dma_wait3A_149 : memref<1x80xi32, #tpu.memory_space<vmem>> -> memref<80xi32, #tpu.memory_space<vmem>>
    %dma_wait3A_151 = arith.constant 0 : i32
    %dma_wait3A_152 = arith.constant 0 : i32
    %dma_wait3A_153 = tpu.memref_slice %arg11[%dma_wait3A_151, %dma_wait3A_152] : memref<10240x64xf32, #tpu.memory_space<vmem_shared>> -> memref<10240x64xf32, #tpu.memory_space<vmem_shared>>
    tpu.wait_indirect_dma semaphore(%arg13 : memref<!tpu.dma_semaphore, #tpu.memory_space<semaphore_mem>>) src(%dma_wait3A_147 : memref<80x64xf32, #tpu.memory_space<vmem>>) dst(%dma_wait3A_153 : memref<10240x64xf32, #tpu.memory_space<vmem_shared>>)
    %barrier3A_154 = arith.constant 0 : index
    tpu.barrier barrier_id(%barrier3A_154)
    %mul3A_155 = arith.constant 640 : i32
    %mul3A_156 = arith.muli %arg1, %mul3A_155 : i32
    %add3A_157 = arith.constant 0 : i32
    %add3A_158 = arith.addi %mul3A_156, %add3A_157 : i32
    "tpu.region"() ({
      %run_scoped3A = tpu.sem_alloc : memref<!tpu.dma_semaphore, #tpu.memory_space<semaphore_mem>>
      %dma_start3A_187 = arith.constant 0 : i32
      %dma_start3A_188 = tpu.memref_slice %arg11[%add3A_158, %dma_start3A_187] : memref<10240x64xf32, #tpu.memory_space<vmem_shared>> -> memref<80x64xf32, #tpu.memory_space<vmem_shared>>
      %dma_start3A_189 = arith.constant 0 : i32
      %dma_start3A_190 = tpu.memref_slice %arg11[%add3A_158, %dma_start3A_189] : memref<10240x64xf32, #tpu.memory_space<vmem_shared>> -> memref<80x64xf32, #tpu.memory_space<vmem_shared>>
      tpu.enqueue_dma source(%dma_start3A_190 : memref<80x64xf32, #tpu.memory_space<vmem_shared>>) target(%arg10 : memref<80x64xf32, #tpu.memory_space<vmem>>) target_semaphore(%run_scoped3A : memref<!tpu.dma_semaphore, #tpu.memory_space<semaphore_mem>>)
      %dma_wait3A_191 = arith.constant 0 : i32
      %dma_wait3A_192 = tpu.memref_slice %arg11[%add3A_158, %dma_wait3A_191] : memref<10240x64xf32, #tpu.memory_space<vmem_shared>> -> memref<80x64xf32, #tpu.memory_space<vmem_shared>>
      %dma_wait3A_193 = arith.constant 0 : i32
      %dma_wait3A_194 = tpu.memref_slice %arg11[%add3A_158, %dma_wait3A_193] : memref<10240x64xf32, #tpu.memory_space<vmem_shared>> -> memref<80x64xf32, #tpu.memory_space<vmem_shared>>
      tpu.wait_dma2 semaphore(%run_scoped3A : memref<!tpu.dma_semaphore, #tpu.memory_space<semaphore_mem>>) src(%dma_wait3A_194 : memref<80x64xf32, #tpu.memory_space<vmem_shared>>) dst(%arg10 : memref<80x64xf32, #tpu.memory_space<vmem>>)
      tpu.yield
    }) : () -> ()
    "tpu.region"() ({
      %run_scoped3A = tpu.sem_alloc : memref<!tpu.dma_semaphore, #tpu.memory_space<semaphore_mem>>
      %dma_start3A_187 = arith.constant 0 : i32
      %dma_start3A_188 = tpu.memref_slice %arg6[%arg0, %add3A_158, %dma_start3A_187] : memref<2x10240x64xf32, #tpu.memory_space<hbm>> -> memref<1x80x64xf32, #tpu.memory_space<hbm>>
      %dma_start3A_189 = tpu.memref_squeeze %dma_start3A_188 : memref<1x80x64xf32, #tpu.memory_space<hbm>> -> memref<80x64xf32, #tpu.memory_space<hbm>>
      %dma_start3A_190 = arith.constant 0 : i32
      %dma_start3A_191 = tpu.memref_slice %arg6[%arg0, %add3A_158, %dma_start3A_190] : memref<2x10240x64xf32, #tpu.memory_space<hbm>> -> memref<1x80x64xf32, #tpu.memory_space<hbm>>
      %dma_start3A_192 = tpu.memref_squeeze %dma_start3A_191 : memref<1x80x64xf32, #tpu.memory_space<hbm>> -> memref<80x64xf32, #tpu.memory_space<hbm>>
      tpu.enqueue_dma source(%arg10 : memref<80x64xf32, #tpu.memory_space<vmem>>) target(%dma_start3A_192 : memref<80x64xf32, #tpu.memory_space<hbm>>) target_semaphore(%run_scoped3A : memref<!tpu.dma_semaphore, #tpu.memory_space<semaphore_mem>>)
      %dma_wait3A_193 = arith.constant 0 : i32
      %dma_wait3A_194 = tpu.memref_slice %arg6[%arg0, %add3A_158, %dma_wait3A_193] : memref<2x10240x64xf32, #tpu.memory_space<hbm>> -> memref<1x80x64xf32, #tpu.memory_space<hbm>>
      %dma_wait3A_195 = tpu.memref_squeeze %dma_wait3A_194 : memref<1x80x64xf32, #tpu.memory_space<hbm>> -> memref<80x64xf32, #tpu.memory_space<hbm>>
      %dma_wait3A_196 = arith.constant 0 : i32
      %dma_wait3A_197 = tpu.memref_slice %arg6[%arg0, %add3A_158, %dma_wait3A_196] : memref<2x10240x64xf32, #tpu.memory_space<hbm>> -> memref<1x80x64xf32, #tpu.memory_space<hbm>>
      %dma_wait3A_198 = tpu.memref_squeeze %dma_wait3A_197 : memref<1x80x64xf32, #tpu.memory_space<hbm>> -> memref<80x64xf32, #tpu.memory_space<hbm>>
      tpu.wait_dma2 semaphore(%run_scoped3A : memref<!tpu.dma_semaphore, #tpu.memory_space<semaphore_mem>>) src(%arg10 : memref<80x64xf32, #tpu.memory_space<vmem>>) dst(%dma_wait3A_198 : memref<80x64xf32, #tpu.memory_space<hbm>>)
      tpu.yield
    }) : () -> ()
    %mul3A_159 = arith.constant 640 : i32
    %mul3A_160 = arith.muli %arg1, %mul3A_159 : i32
    %add3A_161 = arith.constant 80 : i32
    %add3A_162 = arith.addi %mul3A_160, %add3A_161 : i32
    "tpu.region"() ({
      %run_scoped3A = tpu.sem_alloc : memref<!tpu.dma_semaphore, #tpu.memory_space<semaphore_mem>>
      %dma_start3A_187 = arith.constant 0 : i32
      %dma_start3A_188 = tpu.memref_slice %arg11[%add3A_162, %dma_start3A_187] : memref<10240x64xf32, #tpu.memory_space<vmem_shared>> -> memref<80x64xf32, #tpu.memory_space<vmem_shared>>
      %dma_start3A_189 = arith.constant 0 : i32
      %dma_start3A_190 = tpu.memref_slice %arg11[%add3A_162, %dma_start3A_189] : memref<10240x64xf32, #tpu.memory_space<vmem_shared>> -> memref<80x64xf32, #tpu.memory_space<vmem_shared>>
      tpu.enqueue_dma source(%dma_start3A_190 : memref<80x64xf32, #tpu.memory_space<vmem_shared>>) target(%arg10 : memref<80x64xf32, #tpu.memory_space<vmem>>) target_semaphore(%run_scoped3A : memref<!tpu.dma_semaphore, #tpu.memory_space<semaphore_mem>>)
      %dma_wait3A_191 = arith.constant 0 : i32
      %dma_wait3A_192 = tpu.memref_slice %arg11[%add3A_162, %dma_wait3A_191] : memref<10240x64xf32, #tpu.memory_space<vmem_shared>> -> memref<80x64xf32, #tpu.memory_space<vmem_shared>>
      %dma_wait3A_193 = arith.constant 0 : i32
      %dma_wait3A_194 = tpu.memref_slice %arg11[%add3A_162, %dma_wait3A_193] : memref<10240x64xf32, #tpu.memory_space<vmem_shared>> -> memref<80x64xf32, #tpu.memory_space<vmem_shared>>
      tpu.wait_dma2 semaphore(%run_scoped3A : memref<!tpu.dma_semaphore, #tpu.memory_space<semaphore_mem>>) src(%dma_wait3A_194 : memref<80x64xf32, #tpu.memory_space<vmem_shared>>) dst(%arg10 : memref<80x64xf32, #tpu.memory_space<vmem>>)
      tpu.yield
    }) : () -> ()
    "tpu.region"() ({
      %run_scoped3A = tpu.sem_alloc : memref<!tpu.dma_semaphore, #tpu.memory_space<semaphore_mem>>
      %dma_start3A_187 = arith.constant 0 : i32
      %dma_start3A_188 = tpu.memref_slice %arg6[%arg0, %add3A_162, %dma_start3A_187] : memref<2x10240x64xf32, #tpu.memory_space<hbm>> -> memref<1x80x64xf32, #tpu.memory_space<hbm>>
      %dma_start3A_189 = tpu.memref_squeeze %dma_start3A_188 : memref<1x80x64xf32, #tpu.memory_space<hbm>> -> memref<80x64xf32, #tpu.memory_space<hbm>>
      %dma_start3A_190 = arith.constant 0 : i32
      %dma_start3A_191 = tpu.memref_slice %arg6[%arg0, %add3A_162, %dma_start3A_190] : memref<2x10240x64xf32, #tpu.memory_space<hbm>> -> memref<1x80x64xf32, #tpu.memory_space<hbm>>
      %dma_start3A_192 = tpu.memref_squeeze %dma_start3A_191 : memref<1x80x64xf32, #tpu.memory_space<hbm>> -> memref<80x64xf32, #tpu.memory_space<hbm>>
      tpu.enqueue_dma source(%arg10 : memref<80x64xf32, #tpu.memory_space<vmem>>) target(%dma_start3A_192 : memref<80x64xf32, #tpu.memory_space<hbm>>) target_semaphore(%run_scoped3A : memref<!tpu.dma_semaphore, #tpu.memory_space<semaphore_mem>>)
      %dma_wait3A_193 = arith.constant 0 : i32
      %dma_wait3A_194 = tpu.memref_slice %arg6[%arg0, %add3A_162, %dma_wait3A_193] : memref<2x10240x64xf32, #tpu.memory_space<hbm>> -> memref<1x80x64xf32, #tpu.memory_space<hbm>>
      %dma_wait3A_195 = tpu.memref_squeeze %dma_wait3A_194 : memref<1x80x64xf32, #tpu.memory_space<hbm>> -> memref<80x64xf32, #tpu.memory_space<hbm>>
      %dma_wait3A_196 = arith.constant 0 : i32
      %dma_wait3A_197 = tpu.memref_slice %arg6[%arg0, %add3A_162, %dma_wait3A_196] : memref<2x10240x64xf32, #tpu.memory_space<hbm>> -> memref<1x80x64xf32, #tpu.memory_space<hbm>>
      %dma_wait3A_198 = tpu.memref_squeeze %dma_wait3A_197 : memref<1x80x64xf32, #tpu.memory_space<hbm>> -> memref<80x64xf32, #tpu.memory_space<hbm>>
      tpu.wait_dma2 semaphore(%run_scoped3A : memref<!tpu.dma_semaphore, #tpu.memory_space<semaphore_mem>>) src(%arg10 : memref<80x64xf32, #tpu.memory_space<vmem>>) dst(%dma_wait3A_198 : memref<80x64xf32, #tpu.memory_space<hbm>>)
      tpu.yield
    }) : () -> ()
    %mul3A_163 = arith.constant 640 : i32
    %mul3A_164 = arith.muli %arg1, %mul3A_163 : i32
    %add3A_165 = arith.constant 160 : i32
    %add3A_166 = arith.addi %mul3A_164, %add3A_165 : i32
    "tpu.region"() ({
      %run_scoped3A = tpu.sem_alloc : memref<!tpu.dma_semaphore, #tpu.memory_space<semaphore_mem>>
      %dma_start3A_187 = arith.constant 0 : i32
      %dma_start3A_188 = tpu.memref_slice %arg11[%add3A_166, %dma_start3A_187] : memref<10240x64xf32, #tpu.memory_space<vmem_shared>> -> memref<80x64xf32, #tpu.memory_space<vmem_shared>>
      %dma_start3A_189 = arith.constant 0 : i32
      %dma_start3A_190 = tpu.memref_slice %arg11[%add3A_166, %dma_start3A_189] : memref<10240x64xf32, #tpu.memory_space<vmem_shared>> -> memref<80x64xf32, #tpu.memory_space<vmem_shared>>
      tpu.enqueue_dma source(%dma_start3A_190 : memref<80x64xf32, #tpu.memory_space<vmem_shared>>) target(%arg10 : memref<80x64xf32, #tpu.memory_space<vmem>>) target_semaphore(%run_scoped3A : memref<!tpu.dma_semaphore, #tpu.memory_space<semaphore_mem>>)
      %dma_wait3A_191 = arith.constant 0 : i32
      %dma_wait3A_192 = tpu.memref_slice %arg11[%add3A_166, %dma_wait3A_191] : memref<10240x64xf32, #tpu.memory_space<vmem_shared>> -> memref<80x64xf32, #tpu.memory_space<vmem_shared>>
      %dma_wait3A_193 = arith.constant 0 : i32
      %dma_wait3A_194 = tpu.memref_slice %arg11[%add3A_166, %dma_wait3A_193] : memref<10240x64xf32, #tpu.memory_space<vmem_shared>> -> memref<80x64xf32, #tpu.memory_space<vmem_shared>>
      tpu.wait_dma2 semaphore(%run_scoped3A : memref<!tpu.dma_semaphore, #tpu.memory_space<semaphore_mem>>) src(%dma_wait3A_194 : memref<80x64xf32, #tpu.memory_space<vmem_shared>>) dst(%arg10 : memref<80x64xf32, #tpu.memory_space<vmem>>)
      tpu.yield
    }) : () -> ()
    "tpu.region"() ({
      %run_scoped3A = tpu.sem_alloc : memref<!tpu.dma_semaphore, #tpu.memory_space<semaphore_mem>>
      %dma_start3A_187 = arith.constant 0 : i32
      %dma_start3A_188 = tpu.memref_slice %arg6[%arg0, %add3A_166, %dma_start3A_187] : memref<2x10240x64xf32, #tpu.memory_space<hbm>> -> memref<1x80x64xf32, #tpu.memory_space<hbm>>
      %dma_start3A_189 = tpu.memref_squeeze %dma_start3A_188 : memref<1x80x64xf32, #tpu.memory_space<hbm>> -> memref<80x64xf32, #tpu.memory_space<hbm>>
      %dma_start3A_190 = arith.constant 0 : i32
      %dma_start3A_191 = tpu.memref_slice %arg6[%arg0, %add3A_166, %dma_start3A_190] : memref<2x10240x64xf32, #tpu.memory_space<hbm>> -> memref<1x80x64xf32, #tpu.memory_space<hbm>>
      %dma_start3A_192 = tpu.memref_squeeze %dma_start3A_191 : memref<1x80x64xf32, #tpu.memory_space<hbm>> -> memref<80x64xf32, #tpu.memory_space<hbm>>
      tpu.enqueue_dma source(%arg10 : memref<80x64xf32, #tpu.memory_space<vmem>>) target(%dma_start3A_192 : memref<80x64xf32, #tpu.memory_space<hbm>>) target_semaphore(%run_scoped3A : memref<!tpu.dma_semaphore, #tpu.memory_space<semaphore_mem>>)
      %dma_wait3A_193 = arith.constant 0 : i32
      %dma_wait3A_194 = tpu.memref_slice %arg6[%arg0, %add3A_166, %dma_wait3A_193] : memref<2x10240x64xf32, #tpu.memory_space<hbm>> -> memref<1x80x64xf32, #tpu.memory_space<hbm>>
      %dma_wait3A_195 = tpu.memref_squeeze %dma_wait3A_194 : memref<1x80x64xf32, #tpu.memory_space<hbm>> -> memref<80x64xf32, #tpu.memory_space<hbm>>
      %dma_wait3A_196 = arith.constant 0 : i32
      %dma_wait3A_197 = tpu.memref_slice %arg6[%arg0, %add3A_166, %dma_wait3A_196] : memref<2x10240x64xf32, #tpu.memory_space<hbm>> -> memref<1x80x64xf32, #tpu.memory_space<hbm>>
      %dma_wait3A_198 = tpu.memref_squeeze %dma_wait3A_197 : memref<1x80x64xf32, #tpu.memory_space<hbm>> -> memref<80x64xf32, #tpu.memory_space<hbm>>
      tpu.wait_dma2 semaphore(%run_scoped3A : memref<!tpu.dma_semaphore, #tpu.memory_space<semaphore_mem>>) src(%arg10 : memref<80x64xf32, #tpu.memory_space<vmem>>) dst(%dma_wait3A_198 : memref<80x64xf32, #tpu.memory_space<hbm>>)
      tpu.yield
    }) : () -> ()
    %mul3A_167 = arith.constant 640 : i32
    %mul3A_168 = arith.muli %arg1, %mul3A_167 : i32
    %add3A_169 = arith.constant 240 : i32
    %add3A_170 = arith.addi %mul3A_168, %add3A_169 : i32
    "tpu.region"() ({
      %run_scoped3A = tpu.sem_alloc : memref<!tpu.dma_semaphore, #tpu.memory_space<semaphore_mem>>
      %dma_start3A_187 = arith.constant 0 : i32
      %dma_start3A_188 = tpu.memref_slice %arg11[%add3A_170, %dma_start3A_187] : memref<10240x64xf32, #tpu.memory_space<vmem_shared>> -> memref<80x64xf32, #tpu.memory_space<vmem_shared>>
      %dma_start3A_189 = arith.constant 0 : i32
      %dma_start3A_190 = tpu.memref_slice %arg11[%add3A_170, %dma_start3A_189] : memref<10240x64xf32, #tpu.memory_space<vmem_shared>> -> memref<80x64xf32, #tpu.memory_space<vmem_shared>>
      tpu.enqueue_dma source(%dma_start3A_190 : memref<80x64xf32, #tpu.memory_space<vmem_shared>>) target(%arg10 : memref<80x64xf32, #tpu.memory_space<vmem>>) target_semaphore(%run_scoped3A : memref<!tpu.dma_semaphore, #tpu.memory_space<semaphore_mem>>)
      %dma_wait3A_191 = arith.constant 0 : i32
      %dma_wait3A_192 = tpu.memref_slice %arg11[%add3A_170, %dma_wait3A_191] : memref<10240x64xf32, #tpu.memory_space<vmem_shared>> -> memref<80x64xf32, #tpu.memory_space<vmem_shared>>
      %dma_wait3A_193 = arith.constant 0 : i32
      %dma_wait3A_194 = tpu.memref_slice %arg11[%add3A_170, %dma_wait3A_193] : memref<10240x64xf32, #tpu.memory_space<vmem_shared>> -> memref<80x64xf32, #tpu.memory_space<vmem_shared>>
      tpu.wait_dma2 semaphore(%run_scoped3A : memref<!tpu.dma_semaphore, #tpu.memory_space<semaphore_mem>>) src(%dma_wait3A_194 : memref<80x64xf32, #tpu.memory_space<vmem_shared>>) dst(%arg10 : memref<80x64xf32, #tpu.memory_space<vmem>>)
      tpu.yield
    }) : () -> ()
    "tpu.region"() ({
      %run_scoped3A = tpu.sem_alloc : memref<!tpu.dma_semaphore, #tpu.memory_space<semaphore_mem>>
      %dma_start3A_187 = arith.constant 0 : i32
      %dma_start3A_188 = tpu.memref_slice %arg6[%arg0, %add3A_170, %dma_start3A_187] : memref<2x10240x64xf32, #tpu.memory_space<hbm>> -> memref<1x80x64xf32, #tpu.memory_space<hbm>>
      %dma_start3A_189 = tpu.memref_squeeze %dma_start3A_188 : memref<1x80x64xf32, #tpu.memory_space<hbm>> -> memref<80x64xf32, #tpu.memory_space<hbm>>
      %dma_start3A_190 = arith.constant 0 : i32
      %dma_start3A_191 = tpu.memref_slice %arg6[%arg0, %add3A_170, %dma_start3A_190] : memref<2x10240x64xf32, #tpu.memory_space<hbm>> -> memref<1x80x64xf32, #tpu.memory_space<hbm>>
      %dma_start3A_192 = tpu.memref_squeeze %dma_start3A_191 : memref<1x80x64xf32, #tpu.memory_space<hbm>> -> memref<80x64xf32, #tpu.memory_space<hbm>>
      tpu.enqueue_dma source(%arg10 : memref<80x64xf32, #tpu.memory_space<vmem>>) target(%dma_start3A_192 : memref<80x64xf32, #tpu.memory_space<hbm>>) target_semaphore(%run_scoped3A : memref<!tpu.dma_semaphore, #tpu.memory_space<semaphore_mem>>)
      %dma_wait3A_193 = arith.constant 0 : i32
      %dma_wait3A_194 = tpu.memref_slice %arg6[%arg0, %add3A_170, %dma_wait3A_193] : memref<2x10240x64xf32, #tpu.memory_space<hbm>> -> memref<1x80x64xf32, #tpu.memory_space<hbm>>
      %dma_wait3A_195 = tpu.memref_squeeze %dma_wait3A_194 : memref<1x80x64xf32, #tpu.memory_space<hbm>> -> memref<80x64xf32, #tpu.memory_space<hbm>>
      %dma_wait3A_196 = arith.constant 0 : i32
      %dma_wait3A_197 = tpu.memref_slice %arg6[%arg0, %add3A_170, %dma_wait3A_196] : memref<2x10240x64xf32, #tpu.memory_space<hbm>> -> memref<1x80x64xf32, #tpu.memory_space<hbm>>
      %dma_wait3A_198 = tpu.memref_squeeze %dma_wait3A_197 : memref<1x80x64xf32, #tpu.memory_space<hbm>> -> memref<80x64xf32, #tpu.memory_space<hbm>>
      tpu.wait_dma2 semaphore(%run_scoped3A : memref<!tpu.dma_semaphore, #tpu.memory_space<semaphore_mem>>) src(%arg10 : memref<80x64xf32, #tpu.memory_space<vmem>>) dst(%dma_wait3A_198 : memref<80x64xf32, #tpu.memory_space<hbm>>)
      tpu.yield
    }) : () -> ()
    %mul3A_171 = arith.constant 640 : i32
    %mul3A_172 = arith.muli %arg1, %mul3A_171 : i32
    %add3A_173 = arith.constant 320 : i32
    %add3A_174 = arith.addi %mul3A_172, %add3A_173 : i32
    "tpu.region"() ({
      %run_scoped3A = tpu.sem_alloc : memref<!tpu.dma_semaphore, #tpu.memory_space<semaphore_mem>>
      %dma_start3A_187 = arith.constant 0 : i32
      %dma_start3A_188 = tpu.memref_slice %arg11[%add3A_174, %dma_start3A_187] : memref<10240x64xf32, #tpu.memory_space<vmem_shared>> -> memref<80x64xf32, #tpu.memory_space<vmem_shared>>
      %dma_start3A_189 = arith.constant 0 : i32
      %dma_start3A_190 = tpu.memref_slice %arg11[%add3A_174, %dma_start3A_189] : memref<10240x64xf32, #tpu.memory_space<vmem_shared>> -> memref<80x64xf32, #tpu.memory_space<vmem_shared>>
      tpu.enqueue_dma source(%dma_start3A_190 : memref<80x64xf32, #tpu.memory_space<vmem_shared>>) target(%arg10 : memref<80x64xf32, #tpu.memory_space<vmem>>) target_semaphore(%run_scoped3A : memref<!tpu.dma_semaphore, #tpu.memory_space<semaphore_mem>>)
      %dma_wait3A_191 = arith.constant 0 : i32
      %dma_wait3A_192 = tpu.memref_slice %arg11[%add3A_174, %dma_wait3A_191] : memref<10240x64xf32, #tpu.memory_space<vmem_shared>> -> memref<80x64xf32, #tpu.memory_space<vmem_shared>>
      %dma_wait3A_193 = arith.constant 0 : i32
      %dma_wait3A_194 = tpu.memref_slice %arg11[%add3A_174, %dma_wait3A_193] : memref<10240x64xf32, #tpu.memory_space<vmem_shared>> -> memref<80x64xf32, #tpu.memory_space<vmem_shared>>
      tpu.wait_dma2 semaphore(%run_scoped3A : memref<!tpu.dma_semaphore, #tpu.memory_space<semaphore_mem>>) src(%dma_wait3A_194 : memref<80x64xf32, #tpu.memory_space<vmem_shared>>) dst(%arg10 : memref<80x64xf32, #tpu.memory_space<vmem>>)
      tpu.yield
    }) : () -> ()
    "tpu.region"() ({
      %run_scoped3A = tpu.sem_alloc : memref<!tpu.dma_semaphore, #tpu.memory_space<semaphore_mem>>
      %dma_start3A_187 = arith.constant 0 : i32
      %dma_start3A_188 = tpu.memref_slice %arg6[%arg0, %add3A_174, %dma_start3A_187] : memref<2x10240x64xf32, #tpu.memory_space<hbm>> -> memref<1x80x64xf32, #tpu.memory_space<hbm>>
      %dma_start3A_189 = tpu.memref_squeeze %dma_start3A_188 : memref<1x80x64xf32, #tpu.memory_space<hbm>> -> memref<80x64xf32, #tpu.memory_space<hbm>>
      %dma_start3A_190 = arith.constant 0 : i32
      %dma_start3A_191 = tpu.memref_slice %arg6[%arg0, %add3A_174, %dma_start3A_190] : memref<2x10240x64xf32, #tpu.memory_space<hbm>> -> memref<1x80x64xf32, #tpu.memory_space<hbm>>
      %dma_start3A_192 = tpu.memref_squeeze %dma_start3A_191 : memref<1x80x64xf32, #tpu.memory_space<hbm>> -> memref<80x64xf32, #tpu.memory_space<hbm>>
      tpu.enqueue_dma source(%arg10 : memref<80x64xf32, #tpu.memory_space<vmem>>) target(%dma_start3A_192 : memref<80x64xf32, #tpu.memory_space<hbm>>) target_semaphore(%run_scoped3A : memref<!tpu.dma_semaphore, #tpu.memory_space<semaphore_mem>>)
      %dma_wait3A_193 = arith.constant 0 : i32
      %dma_wait3A_194 = tpu.memref_slice %arg6[%arg0, %add3A_174, %dma_wait3A_193] : memref<2x10240x64xf32, #tpu.memory_space<hbm>> -> memref<1x80x64xf32, #tpu.memory_space<hbm>>
      %dma_wait3A_195 = tpu.memref_squeeze %dma_wait3A_194 : memref<1x80x64xf32, #tpu.memory_space<hbm>> -> memref<80x64xf32, #tpu.memory_space<hbm>>
      %dma_wait3A_196 = arith.constant 0 : i32
      %dma_wait3A_197 = tpu.memref_slice %arg6[%arg0, %add3A_174, %dma_wait3A_196] : memref<2x10240x64xf32, #tpu.memory_space<hbm>> -> memref<1x80x64xf32, #tpu.memory_space<hbm>>
      %dma_wait3A_198 = tpu.memref_squeeze %dma_wait3A_197 : memref<1x80x64xf32, #tpu.memory_space<hbm>> -> memref<80x64xf32, #tpu.memory_space<hbm>>
      tpu.wait_dma2 semaphore(%run_scoped3A : memref<!tpu.dma_semaphore, #tpu.memory_space<semaphore_mem>>) src(%arg10 : memref<80x64xf32, #tpu.memory_space<vmem>>) dst(%dma_wait3A_198 : memref<80x64xf32, #tpu.memory_space<hbm>>)
      tpu.yield
    }) : () -> ()
    %mul3A_175 = arith.constant 640 : i32
    %mul3A_176 = arith.muli %arg1, %mul3A_175 : i32
    %add3A_177 = arith.constant 400 : i32
    %add3A_178 = arith.addi %mul3A_176, %add3A_177 : i32
    "tpu.region"() ({
      %run_scoped3A = tpu.sem_alloc : memref<!tpu.dma_semaphore, #tpu.memory_space<semaphore_mem>>
      %dma_start3A_187 = arith.constant 0 : i32
      %dma_start3A_188 = tpu.memref_slice %arg11[%add3A_178, %dma_start3A_187] : memref<10240x64xf32, #tpu.memory_space<vmem_shared>> -> memref<80x64xf32, #tpu.memory_space<vmem_shared>>
      %dma_start3A_189 = arith.constant 0 : i32
      %dma_start3A_190 = tpu.memref_slice %arg11[%add3A_178, %dma_start3A_189] : memref<10240x64xf32, #tpu.memory_space<vmem_shared>> -> memref<80x64xf32, #tpu.memory_space<vmem_shared>>
      tpu.enqueue_dma source(%dma_start3A_190 : memref<80x64xf32, #tpu.memory_space<vmem_shared>>) target(%arg10 : memref<80x64xf32, #tpu.memory_space<vmem>>) target_semaphore(%run_scoped3A : memref<!tpu.dma_semaphore, #tpu.memory_space<semaphore_mem>>)
      %dma_wait3A_191 = arith.constant 0 : i32
      %dma_wait3A_192 = tpu.memref_slice %arg11[%add3A_178, %dma_wait3A_191] : memref<10240x64xf32, #tpu.memory_space<vmem_shared>> -> memref<80x64xf32, #tpu.memory_space<vmem_shared>>
      %dma_wait3A_193 = arith.constant 0 : i32
      %dma_wait3A_194 = tpu.memref_slice %arg11[%add3A_178, %dma_wait3A_193] : memref<10240x64xf32, #tpu.memory_space<vmem_shared>> -> memref<80x64xf32, #tpu.memory_space<vmem_shared>>
      tpu.wait_dma2 semaphore(%run_scoped3A : memref<!tpu.dma_semaphore, #tpu.memory_space<semaphore_mem>>) src(%dma_wait3A_194 : memref<80x64xf32, #tpu.memory_space<vmem_shared>>) dst(%arg10 : memref<80x64xf32, #tpu.memory_space<vmem>>)
      tpu.yield
    }) : () -> ()
    "tpu.region"() ({
      %run_scoped3A = tpu.sem_alloc : memref<!tpu.dma_semaphore, #tpu.memory_space<semaphore_mem>>
      %dma_start3A_187 = arith.constant 0 : i32
      %dma_start3A_188 = tpu.memref_slice %arg6[%arg0, %add3A_178, %dma_start3A_187] : memref<2x10240x64xf32, #tpu.memory_space<hbm>> -> memref<1x80x64xf32, #tpu.memory_space<hbm>>
      %dma_start3A_189 = tpu.memref_squeeze %dma_start3A_188 : memref<1x80x64xf32, #tpu.memory_space<hbm>> -> memref<80x64xf32, #tpu.memory_space<hbm>>
      %dma_start3A_190 = arith.constant 0 : i32
      %dma_start3A_191 = tpu.memref_slice %arg6[%arg0, %add3A_178, %dma_start3A_190] : memref<2x10240x64xf32, #tpu.memory_space<hbm>> -> memref<1x80x64xf32, #tpu.memory_space<hbm>>
      %dma_start3A_192 = tpu.memref_squeeze %dma_start3A_191 : memref<1x80x64xf32, #tpu.memory_space<hbm>> -> memref<80x64xf32, #tpu.memory_space<hbm>>
      tpu.enqueue_dma source(%arg10 : memref<80x64xf32, #tpu.memory_space<vmem>>) target(%dma_start3A_192 : memref<80x64xf32, #tpu.memory_space<hbm>>) target_semaphore(%run_scoped3A : memref<!tpu.dma_semaphore, #tpu.memory_space<semaphore_mem>>)
      %dma_wait3A_193 = arith.constant 0 : i32
      %dma_wait3A_194 = tpu.memref_slice %arg6[%arg0, %add3A_178, %dma_wait3A_193] : memref<2x10240x64xf32, #tpu.memory_space<hbm>> -> memref<1x80x64xf32, #tpu.memory_space<hbm>>
      %dma_wait3A_195 = tpu.memref_squeeze %dma_wait3A_194 : memref<1x80x64xf32, #tpu.memory_space<hbm>> -> memref<80x64xf32, #tpu.memory_space<hbm>>
      %dma_wait3A_196 = arith.constant 0 : i32
      %dma_wait3A_197 = tpu.memref_slice %arg6[%arg0, %add3A_178, %dma_wait3A_196] : memref<2x10240x64xf32, #tpu.memory_space<hbm>> -> memref<1x80x64xf32, #tpu.memory_space<hbm>>
      %dma_wait3A_198 = tpu.memref_squeeze %dma_wait3A_197 : memref<1x80x64xf32, #tpu.memory_space<hbm>> -> memref<80x64xf32, #tpu.memory_space<hbm>>
      tpu.wait_dma2 semaphore(%run_scoped3A : memref<!tpu.dma_semaphore, #tpu.memory_space<semaphore_mem>>) src(%arg10 : memref<80x64xf32, #tpu.memory_space<vmem>>) dst(%dma_wait3A_198 : memref<80x64xf32, #tpu.memory_space<hbm>>)
      tpu.yield
    }) : () -> ()
    %mul3A_179 = arith.constant 640 : i32
    %mul3A_180 = arith.muli %arg1, %mul3A_179 : i32
    %add3A_181 = arith.constant 480 : i32
    %add3A_182 = arith.addi %mul3A_180, %add3A_181 : i32
    "tpu.region"() ({
      %run_scoped3A = tpu.sem_alloc : memref<!tpu.dma_semaphore, #tpu.memory_space<semaphore_mem>>
      %dma_start3A_187 = arith.constant 0 : i32
      %dma_start3A_188 = tpu.memref_slice %arg11[%add3A_182, %dma_start3A_187] : memref<10240x64xf32, #tpu.memory_space<vmem_shared>> -> memref<80x64xf32, #tpu.memory_space<vmem_shared>>
      %dma_start3A_189 = arith.constant 0 : i32
      %dma_start3A_190 = tpu.memref_slice %arg11[%add3A_182, %dma_start3A_189] : memref<10240x64xf32, #tpu.memory_space<vmem_shared>> -> memref<80x64xf32, #tpu.memory_space<vmem_shared>>
      tpu.enqueue_dma source(%dma_start3A_190 : memref<80x64xf32, #tpu.memory_space<vmem_shared>>) target(%arg10 : memref<80x64xf32, #tpu.memory_space<vmem>>) target_semaphore(%run_scoped3A : memref<!tpu.dma_semaphore, #tpu.memory_space<semaphore_mem>>)
      %dma_wait3A_191 = arith.constant 0 : i32
      %dma_wait3A_192 = tpu.memref_slice %arg11[%add3A_182, %dma_wait3A_191] : memref<10240x64xf32, #tpu.memory_space<vmem_shared>> -> memref<80x64xf32, #tpu.memory_space<vmem_shared>>
      %dma_wait3A_193 = arith.constant 0 : i32
      %dma_wait3A_194 = tpu.memref_slice %arg11[%add3A_182, %dma_wait3A_193] : memref<10240x64xf32, #tpu.memory_space<vmem_shared>> -> memref<80x64xf32, #tpu.memory_space<vmem_shared>>
      tpu.wait_dma2 semaphore(%run_scoped3A : memref<!tpu.dma_semaphore, #tpu.memory_space<semaphore_mem>>) src(%dma_wait3A_194 : memref<80x64xf32, #tpu.memory_space<vmem_shared>>) dst(%arg10 : memref<80x64xf32, #tpu.memory_space<vmem>>)
      tpu.yield
    }) : () -> ()
    "tpu.region"() ({
      %run_scoped3A = tpu.sem_alloc : memref<!tpu.dma_semaphore, #tpu.memory_space<semaphore_mem>>
      %dma_start3A_187 = arith.constant 0 : i32
      %dma_start3A_188 = tpu.memref_slice %arg6[%arg0, %add3A_182, %dma_start3A_187] : memref<2x10240x64xf32, #tpu.memory_space<hbm>> -> memref<1x80x64xf32, #tpu.memory_space<hbm>>
      %dma_start3A_189 = tpu.memref_squeeze %dma_start3A_188 : memref<1x80x64xf32, #tpu.memory_space<hbm>> -> memref<80x64xf32, #tpu.memory_space<hbm>>
      %dma_start3A_190 = arith.constant 0 : i32
      %dma_start3A_191 = tpu.memref_slice %arg6[%arg0, %add3A_182, %dma_start3A_190] : memref<2x10240x64xf32, #tpu.memory_space<hbm>> -> memref<1x80x64xf32, #tpu.memory_space<hbm>>
      %dma_start3A_192 = tpu.memref_squeeze %dma_start3A_191 : memref<1x80x64xf32, #tpu.memory_space<hbm>> -> memref<80x64xf32, #tpu.memory_space<hbm>>
      tpu.enqueue_dma source(%arg10 : memref<80x64xf32, #tpu.memory_space<vmem>>) target(%dma_start3A_192 : memref<80x64xf32, #tpu.memory_space<hbm>>) target_semaphore(%run_scoped3A : memref<!tpu.dma_semaphore, #tpu.memory_space<semaphore_mem>>)
      %dma_wait3A_193 = arith.constant 0 : i32
      %dma_wait3A_194 = tpu.memref_slice %arg6[%arg0, %add3A_182, %dma_wait3A_193] : memref<2x10240x64xf32, #tpu.memory_space<hbm>> -> memref<1x80x64xf32, #tpu.memory_space<hbm>>
      %dma_wait3A_195 = tpu.memref_squeeze %dma_wait3A_194 : memref<1x80x64xf32, #tpu.memory_space<hbm>> -> memref<80x64xf32, #tpu.memory_space<hbm>>
      %dma_wait3A_196 = arith.constant 0 : i32
      %dma_wait3A_197 = tpu.memref_slice %arg6[%arg0, %add3A_182, %dma_wait3A_196] : memref<2x10240x64xf32, #tpu.memory_space<hbm>> -> memref<1x80x64xf32, #tpu.memory_space<hbm>>
      %dma_wait3A_198 = tpu.memref_squeeze %dma_wait3A_197 : memref<1x80x64xf32, #tpu.memory_space<hbm>> -> memref<80x64xf32, #tpu.memory_space<hbm>>
      tpu.wait_dma2 semaphore(%run_scoped3A : memref<!tpu.dma_semaphore, #tpu.memory_space<semaphore_mem>>) src(%arg10 : memref<80x64xf32, #tpu.memory_space<vmem>>) dst(%dma_wait3A_198 : memref<80x64xf32, #tpu.memory_space<hbm>>)
      tpu.yield
    }) : () -> ()
    %mul3A_183 = arith.constant 640 : i32
    %mul3A_184 = arith.muli %arg1, %mul3A_183 : i32
    %add3A_185 = arith.constant 560 : i32
    %add3A_186 = arith.addi %mul3A_184, %add3A_185 : i32
    "tpu.region"() ({
      %run_scoped3A = tpu.sem_alloc : memref<!tpu.dma_semaphore, #tpu.memory_space<semaphore_mem>>
      %dma_start3A_187 = arith.constant 0 : i32
      %dma_start3A_188 = tpu.memref_slice %arg11[%add3A_186, %dma_start3A_187] : memref<10240x64xf32, #tpu.memory_space<vmem_shared>> -> memref<80x64xf32, #tpu.memory_space<vmem_shared>>
      %dma_start3A_189 = arith.constant 0 : i32
      %dma_start3A_190 = tpu.memref_slice %arg11[%add3A_186, %dma_start3A_189] : memref<10240x64xf32, #tpu.memory_space<vmem_shared>> -> memref<80x64xf32, #tpu.memory_space<vmem_shared>>
      tpu.enqueue_dma source(%dma_start3A_190 : memref<80x64xf32, #tpu.memory_space<vmem_shared>>) target(%arg10 : memref<80x64xf32, #tpu.memory_space<vmem>>) target_semaphore(%run_scoped3A : memref<!tpu.dma_semaphore, #tpu.memory_space<semaphore_mem>>)
      %dma_wait3A_191 = arith.constant 0 : i32
      %dma_wait3A_192 = tpu.memref_slice %arg11[%add3A_186, %dma_wait3A_191] : memref<10240x64xf32, #tpu.memory_space<vmem_shared>> -> memref<80x64xf32, #tpu.memory_space<vmem_shared>>
      %dma_wait3A_193 = arith.constant 0 : i32
      %dma_wait3A_194 = tpu.memref_slice %arg11[%add3A_186, %dma_wait3A_193] : memref<10240x64xf32, #tpu.memory_space<vmem_shared>> -> memref<80x64xf32, #tpu.memory_space<vmem_shared>>
      tpu.wait_dma2 semaphore(%run_scoped3A : memref<!tpu.dma_semaphore, #tpu.memory_space<semaphore_mem>>) src(%dma_wait3A_194 : memref<80x64xf32, #tpu.memory_space<vmem_shared>>) dst(%arg10 : memref<80x64xf32, #tpu.memory_space<vmem>>)
      tpu.yield
    }) : () -> ()
    "tpu.region"() ({
      %run_scoped3A = tpu.sem_alloc : memref<!tpu.dma_semaphore, #tpu.memory_space<semaphore_mem>>
      %dma_start3A_187 = arith.constant 0 : i32
      %dma_start3A_188 = tpu.memref_slice %arg6[%arg0, %add3A_186, %dma_start3A_187] : memref<2x10240x64xf32, #tpu.memory_space<hbm>> -> memref<1x80x64xf32, #tpu.memory_space<hbm>>
      %dma_start3A_189 = tpu.memref_squeeze %dma_start3A_188 : memref<1x80x64xf32, #tpu.memory_space<hbm>> -> memref<80x64xf32, #tpu.memory_space<hbm>>
      %dma_start3A_190 = arith.constant 0 : i32
      %dma_start3A_191 = tpu.memref_slice %arg6[%arg0, %add3A_186, %dma_start3A_190] : memref<2x10240x64xf32, #tpu.memory_space<hbm>> -> memref<1x80x64xf32, #tpu.memory_space<hbm>>
      %dma_start3A_192 = tpu.memref_squeeze %dma_start3A_191 : memref<1x80x64xf32, #tpu.memory_space<hbm>> -> memref<80x64xf32, #tpu.memory_space<hbm>>
      tpu.enqueue_dma source(%arg10 : memref<80x64xf32, #tpu.memory_space<vmem>>) target(%dma_start3A_192 : memref<80x64xf32, #tpu.memory_space<hbm>>) target_semaphore(%run_scoped3A : memref<!tpu.dma_semaphore, #tpu.memory_space<semaphore_mem>>)
      %dma_wait3A_193 = arith.constant 0 : i32
      %dma_wait3A_194 = tpu.memref_slice %arg6[%arg0, %add3A_186, %dma_wait3A_193] : memref<2x10240x64xf32, #tpu.memory_space<hbm>> -> memref<1x80x64xf32, #tpu.memory_space<hbm>>
      %dma_wait3A_195 = tpu.memref_squeeze %dma_wait3A_194 : memref<1x80x64xf32, #tpu.memory_space<hbm>> -> memref<80x64xf32, #tpu.memory_space<hbm>>
      %dma_wait3A_196 = arith.constant 0 : i32
      %dma_wait3A_197 = tpu.memref_slice %arg6[%arg0, %add3A_186, %dma_wait3A_196] : memref<2x10240x64xf32, #tpu.memory_space<hbm>> -> memref<1x80x64xf32, #tpu.memory_space<hbm>>
      %dma_wait3A_198 = tpu.memref_squeeze %dma_wait3A_197 : memref<1x80x64xf32, #tpu.memory_space<hbm>> -> memref<80x64xf32, #tpu.memory_space<hbm>>
      tpu.wait_dma2 semaphore(%run_scoped3A : memref<!tpu.dma_semaphore, #tpu.memory_space<semaphore_mem>>) src(%arg10 : memref<80x64xf32, #tpu.memory_space<vmem>>) dst(%dma_wait3A_198 : memref<80x64xf32, #tpu.memory_space<hbm>>)
      tpu.yield
    }) : () -> ()
    return
  }
}

module attributes {stable_mosaic.version = 14 : i64} {
  func.func @_mm_body(%arg0: memref<10240x128xf32, #tpu.memory_space<vmem>>, %arg1: memref<128x64xf32, #tpu.memory_space<vmem>>, %arg2: memref<2x10240x1xf32, #tpu.memory_space<vmem>>, %arg3: memref<10240x64xf32, #tpu.memory_space<vmem>>, %arg4: memref<10240x1xf32, #tpu.memory_space<vmem>>) attributes {dimension_semantics = [], scalar_prefetch = 0 : i64, scratch_operands = 0 : i64, tpu.core_type = #tpu.core_type<tc>} {
    %get3A = arith.constant 0 : index
    %get3A_0 = arith.constant 0 : index
    %get3A_1 = arith.constant 0 : index
    %get3A_2 = vector.load %arg2[%get3A, %get3A_0, %get3A_1] : memref<2x10240x1xf32, #tpu.memory_space<vmem>>, vector<1x10240x1xf32>
    %get3A_3 = vector.shape_cast %get3A_2 : vector<1x10240x1xf32> to vector<10240x1xf32>
    %get3A_4 = arith.constant 1 : index
    %get3A_5 = arith.constant 0 : index
    %get3A_6 = arith.constant 0 : index
    %get3A_7 = vector.load %arg2[%get3A_4, %get3A_5, %get3A_6] : memref<2x10240x1xf32, #tpu.memory_space<vmem>>, vector<1x10240x1xf32>
    %get3A_8 = vector.shape_cast %get3A_7 : vector<1x10240x1xf32> to vector<10240x1xf32>
    %add3A = arith.addf %get3A_3, %get3A_8 : vector<10240x1xf32>
    %add3A_9 = arith.constant 1.000000e+00 : f32
    %add3A_10 = vector.broadcast %add3A_9 : f32 to vector<10240x1xf32>
    %add3A_11 = arith.addf %add3A, %add3A_10 : vector<10240x1xf32>
    %rsqrt3A = math.rsqrt %add3A_11 : vector<10240x1xf32>
    %get3A_12 = arith.constant 0 : index
    %get3A_13 = arith.constant 0 : index
    %get3A_14 = vector.load %arg0[%get3A_12, %get3A_13] : memref<10240x128xf32, #tpu.memory_space<vmem>>, vector<10240x128xf32>
    %get3A_15 = arith.constant 0 : index
    %get3A_16 = arith.constant 0 : index
    %get3A_17 = vector.load %arg1[%get3A_15, %get3A_16] : memref<128x64xf32, #tpu.memory_space<vmem>>, vector<128x64xf32>
    %dot_general3A = arith.constant dense<0.000000e+00> : vector<10240x64xf32>
    %dot_general3A_18 = tpu.matmul %get3A_14, %get3A_17, %dot_general3A {dimension_numbers = #tpu.dot_dimension_numbers<[1], [0], [0], [1], [0, 0, 1, 1], [], []>, transpose_lhs_hint = false} : vector<10240x128xf32>, vector<128x64xf32>, vector<10240x64xf32> -> vector<10240x64xf32>
    %mul3A = vector.broadcast %rsqrt3A : vector<10240x1xf32> to vector<10240x64xf32>
    %mul3A_19 = arith.mulf %dot_general3A_18, %mul3A : vector<10240x64xf32>
    %swap3A = arith.constant 0 : index
    %swap3A_20 = arith.constant 0 : index
    %swap3A_21 = vector.load %arg3[%swap3A, %swap3A_20] : memref<10240x64xf32, #tpu.memory_space<vmem>>, vector<10240x64xf32>
    tpu.vector_store %arg3[%swap3A, %swap3A_20], %mul3A_19 {strides = array<i32>} : memref<10240x64xf32, #tpu.memory_space<vmem>>, vector<10240x64xf32>,
    %swap3A_22 = arith.constant 0 : index
    %swap3A_23 = arith.constant 0 : index
    %swap3A_24 = vector.load %arg4[%swap3A_22, %swap3A_23] : memref<10240x1xf32, #tpu.memory_space<vmem>>, vector<10240x1xf32>
    tpu.vector_store %arg4[%swap3A_22, %swap3A_23], %rsqrt3A {strides = array<i32>} : memref<10240x1xf32, #tpu.memory_space<vmem>>, vector<10240x1xf32>,
    return
  }
}

module attributes {stable_mosaic.version = 14 : i64} {
  func.func @_fin_body(%arg0: memref<2x10240x64xf32, #tpu.memory_space<vmem>>, %arg1: memref<10240x64xf32, #tpu.memory_space<vmem>>, %arg2: memref<10240x1xf32, #tpu.memory_space<vmem>>, %arg3: memref<1x64xf32, #tpu.memory_space<vmem>>, %arg4: memref<1x10240xi32, #tpu.memory_space<vmem>>, %arg5: memref<64x64xf32, #tpu.memory_space<vmem>>, %arg6: memref<1x64xf32, #tpu.memory_space<vmem>>, %arg7: memref<64x64xf32, #tpu.memory_space<vmem>>) attributes {dimension_semantics = [], scalar_prefetch = 0 : i64, scratch_operands = 0 : i64, tpu.core_type = #tpu.core_type<tc>} {
    %get3A = arith.constant 0 : index
    %get3A_0 = arith.constant 0 : index
    %get3A_1 = arith.constant 0 : index
    %get3A_2 = vector.load %arg0[%get3A, %get3A_0, %get3A_1] : memref<2x10240x64xf32, #tpu.memory_space<vmem>>, vector<1x10240x64xf32>
    %get3A_3 = vector.shape_cast %get3A_2 : vector<1x10240x64xf32> to vector<10240x64xf32>
    %get3A_4 = arith.constant 1 : index
    %get3A_5 = arith.constant 0 : index
    %get3A_6 = arith.constant 0 : index
    %get3A_7 = vector.load %arg0[%get3A_4, %get3A_5, %get3A_6] : memref<2x10240x64xf32, #tpu.memory_space<vmem>>, vector<1x10240x64xf32>
    %get3A_8 = vector.shape_cast %get3A_7 : vector<1x10240x64xf32> to vector<10240x64xf32>
    %add3A = arith.addf %get3A_3, %get3A_8 : vector<10240x64xf32>
    %get3A_9 = arith.constant 0 : index
    %get3A_10 = arith.constant 0 : index
    %get3A_11 = vector.load %arg1[%get3A_9, %get3A_10] : memref<10240x64xf32, #tpu.memory_space<vmem>>, vector<10240x64xf32>
    %add3A_12 = arith.addf %add3A, %get3A_11 : vector<10240x64xf32>
    %get3A_13 = arith.constant 0 : index
    %get3A_14 = arith.constant 0 : index
    %get3A_15 = vector.load %arg2[%get3A_13, %get3A_14] : memref<10240x1xf32, #tpu.memory_space<vmem>>, vector<10240x1xf32>
    %mul3A = vector.broadcast %get3A_15 : vector<10240x1xf32> to vector<10240x64xf32>
    %mul3A_16 = arith.mulf %add3A_12, %mul3A : vector<10240x64xf32>
    %get3A_17 = arith.constant 0 : index
    %get3A_18 = arith.constant 0 : index
    %get3A_19 = vector.load %arg3[%get3A_17, %get3A_18] : memref<1x64xf32, #tpu.memory_space<vmem>>, vector<1x64xf32>
    %add3A_20 = vector.broadcast %get3A_19 : vector<1x64xf32> to vector<10240x64xf32>
    %add3A_21 = arith.addf %mul3A_16, %add3A_20 : vector<10240x64xf32>
    %max3A = arith.constant 0.000000e+00 : f32
    %max3A_22 = vector.broadcast %max3A : f32 to vector<10240x64xf32>
    %max3A_23 = arith.maximumf %add3A_21, %max3A_22 : vector<10240x64xf32>
    %iota3A = tpu.iota {dimensions = array<i32: 0>} : vector<64x10240xi32>
    %get3A_24 = arith.constant 0 : index
    %get3A_25 = arith.constant 0 : index
    %get3A_26 = vector.load %arg4[%get3A_24, %get3A_25] : memref<1x10240xi32, #tpu.memory_space<vmem>>, vector<1x10240xi32>
    %eq3A = vector.broadcast %get3A_26 : vector<1x10240xi32> to vector<64x10240xi32>
    %eq3A_27 = arith.cmpi eq, %iota3A, %eq3A : vector<64x10240xi32>
    %jit3A = arith.constant 1.000000e+00 : f32
    %jit3A_28 = arith.constant 0.000000e+00 : f32
    %broadcast_in_dim3A = vector.broadcast %jit3A : f32 to vector<64x10240xf32>
    %broadcast_in_dim3A_29 = vector.broadcast %jit3A_28 : f32 to vector<64x10240xf32>
    %select_n3A = arith.select %eq3A_27, %broadcast_in_dim3A, %broadcast_in_dim3A_29 : vector<64x10240xi1>, vector<64x10240xf32>
    %dot_general3A = arith.constant dense<0.000000e+00> : vector<64x64xf32>
    %dot_general3A_30 = tpu.matmul %select_n3A, %max3A_23, %dot_general3A {dimension_numbers = #tpu.dot_dimension_numbers<[1], [0], [0], [1], [0, 0, 1, 1], [], []>, transpose_lhs_hint = false} : vector<64x10240xf32>, vector<10240x64xf32>, vector<64x64xf32> -> vector<64x64xf32>
    %reduce_sum3A = arith.constant dense<0.000000e+00> : vector<64xf32>
    %reduce_sum3A_31 = vector.multi_reduction <add>, %select_n3A, %reduce_sum3A [1] : vector<64x10240xf32> to vector<64xf32>
    %broadcast_in_dim3A_32 = vector.shape_cast %reduce_sum3A_31 : vector<64xf32> to vector<64x1xf32>
    %max3A_33 = arith.constant 1.000000e+00 : f32
    %max3A_34 = vector.broadcast %max3A_33 : f32 to vector<64x1xf32>
    %max3A_35 = arith.maximumf %broadcast_in_dim3A_32, %max3A_34 : vector<64x1xf32>
    %div3A = vector.broadcast %max3A_35 : vector<64x1xf32> to vector<64x64xf32>
    %div3A_36 = arith.divf %dot_general3A_30, %div3A : vector<64x64xf32>
    %get3A_37 = arith.constant 0 : index
    %get3A_38 = arith.constant 0 : index
    %get3A_39 = vector.load %arg5[%get3A_37, %get3A_38] : memref<64x64xf32, #tpu.memory_space<vmem>>, vector<64x64xf32>
    %dot_general3A_40 = arith.constant dense<0.000000e+00> : vector<64x64xf32>
    %dot_general3A_41 = tpu.matmul %div3A_36, %get3A_39, %dot_general3A_40 {dimension_numbers = #tpu.dot_dimension_numbers<[1], [0], [0], [1], [0, 0, 1, 1], [], []>, transpose_lhs_hint = false} : vector<64x64xf32>, vector<64x64xf32>, vector<64x64xf32> -> vector<64x64xf32>
    %get3A_42 = arith.constant 0 : index
    %get3A_43 = arith.constant 0 : index
    %get3A_44 = vector.load %arg6[%get3A_42, %get3A_43] : memref<1x64xf32, #tpu.memory_space<vmem>>, vector<1x64xf32>
    %add3A_45 = vector.broadcast %get3A_44 : vector<1x64xf32> to vector<64x64xf32>
    %add3A_46 = arith.addf %dot_general3A_41, %add3A_45 : vector<64x64xf32>
    %tanh3A = math.tanh %add3A_46 : vector<64x64xf32>
    %swap3A = arith.constant 0 : index
    %swap3A_47 = arith.constant 0 : index
    %swap3A_48 = vector.load %arg7[%swap3A, %swap3A_47] : memref<64x64xf32, #tpu.memory_space<vmem>>, vector<64x64xf32>
    tpu.vector_store %arg7[%swap3A, %swap3A_47], %tanh3A {strides = array<i32>} : memref<64x64xf32, #tpu.memory_space<vmem>>, vector<64x64xf32>,
    return
  }
}

</mosaic_0001>

<sc_bundles>
// kernel: kernel.6.cloned.1.call-start
scs
__scs_entry_jumppad:
0x0: {  	(pc) =	sbr.rel $0x88, $3  }
0x1: {  	(tag) =	ssettag $0x0;
	lr =	simm.s32 $0x1  }
0x2: {  	[smem:$0x3F9A] =	sst lr;
	_ =	strace $0xD0000000  }
0x3: {  	_ = 	snop  }
0x4: {  	_ = 	snop  }
0x5: {  	_ = 	snop  }
0x6: {  	_ = 	snop  }
0x7: {  	_ = 	snop  }
__scs_overlays_trampoline_lowered:
0x8: {  	[smem:$0x3FA9] =	sst s0  }
0x9: {  	[smem:$0x3FAA] =	sst s1  }
0xa: {  	[smem:$0x3FAB] =	sst s2  }
0xb: {  	[smem:$0x3FAC] =	sst s3  }
0xc: {  	[smem:$0x3FAD] =	sst s4  }
0xd: {  	[smem:$0x3FAE] =	sst s5  }
0xe: {  	[smem:$0x3FAF] =	sst s6  }
0xf: {  	[smem:$0x3FB0] =	sst s7  }
0x10: {  	[smem:$0x3FB1] =	sst s8  }
0x11: {  	[smem:$0x3FB2] =	sst s9;
	s0 =	simm.s32 @!p0 $0x0  }
0x12: {  	s1 =	sld [smem:$0x3F98];
	s0 =	simm.s32 @p0 $0x1  }
0x13: {  	[smem:$0x3FB3] =	sst s0;
	s0 =	simm.s32 @!p1 $0x0  }
0x14: {  	s2 =	sld [smem:$0x3F97];
	s0 =	simm.s32 @p1 $0x1  }
0x15: {  	[smem:$0x3FB4] =	sst s0;
	s0 =	simm.s32 @!p2 $0x0  }
0x16: {  	s3 =	sld [smem:$0x3FDB];
	s0 =	simm.s32 @p2 $0x1  }
0x17: {  	s4 =	simm.s32 $0x1BF5;
	[smem:$0x3FB6] =	sst s0  }
0x18: {  	s0 =	sld [smem:$0x3F99];
	_ =	swait.ge [sflag:s4], $0x0  }
0x19: {  	s7 =	sld [smem:$0x3F9A]  }
0x1a: {  	s8 =	sadd.s32 $0xFFFFE003, lr  }
0x1b: {  	s9 =	sadd.s32 $0xFFFFFEF7, lr;
	s5 =	simm.s32 $0xFFFFFFFF;
	p2 =	slt.u32 s8, $0xFFFFF086  }
0x1c: {  	p1 =	slt.u32 s9, $0xF7A;
	s5 =	simm.s32 @!p2 $0x0  }
0x1d: {  	s5 =	simm.s32 @p1 $0x1;
	p0 =	seq.s32 s7, s2  }
0x1e: {  	s7 =	smul.u32 @!p0 $0xF7A, s2;
	p2 =	seq.s32 @!p0 s5, $0x0  }
0x1f: {  	s9 =	smul.u32 $0xF7A, s1;
	s8 =	simm.s32 @!p0 $0x1BF5;
	p2 =	por !p2, p0  }
0x20: {  	[sflag:s8] =	ssyncset.s32 @!p0 $0xFFFFF086;
	s6 =	sadd.s32 @!p0 s3, s7;
	s7 =	simm.s32 @!p0 $0x108  }
0x21: {  	s3 =	sadd.s32 s3, s9;
	s6 =	sadd.s32 @!p0 $0x88, s6;
	s7 =	simm.s32 @p2 $0x1082  }
0x22: {  	[simem:s7], [sflag:s8] =	dma.local @!p0 [hbm:s6], $0xF7A  }
0x23: {  	s9 =	sor.u32 $0xD0000000, s2;
	s6 =	simm.s32 $0x108;
	_ =	swait.ge @!p0 [sflag:s8], $0x0  }
0x24: {  	s3 =	sadd.s32 $0x88, s3;
	s6 =	simm.s32 @!p1 $0x1082;
	[sflag:s4] =	ssyncset.s32 $0xFFFFF086  }
0x25: {  	[simem:s6], [sflag:s4] =	dma.local [hbm:s3], $0xF7A  }
0x26: {  	[smem:$0x3F9A] =	sst s1;
	(tag) =	ssettag s2;
	_ =	strace s9  }
0x27: {  	s1 =	sld [smem:$0x3FAA]  }
0x28: {  	s2 =	sld [smem:$0x3FAB]  }
0x29: {  	s4 =	sld [smem:$0x3FAD]  }
0x2a: {  	p0 =	seq.s32 s5, $0x0;
	s5 =	sld [smem:$0x3FAE]  }
0x2b: {  	s6 =	sld [smem:$0x3FAF]  }
0x2c: {  	s7 =	sld [smem:$0x3FB0]  }
0x2d: {  	s3 =	simm.s32 $0x108;
	s8 =	sld [smem:$0x3FB1]  }
0x2e: {  	s3 =	simm.s32 @!p0 $0x1082;
	s9 =	sld [smem:$0x3FB2]  }
0x2f: {  	lr =	sadd.s32 s0, s3;
	s0 =	sld [smem:$0x3FA9]  }
0x30: {  	s3 =	sld [smem:$0x3FAC]  }
0x31: {  	[smem:$0x3FB5] =	sst s10  }
0x32: {  	s10 =	sld [smem:$0x3FB3];
	_ =	sdelay $0x3  }
0x33: {  	p0 =	seq.s32 s10, $0x1;
	s10 =	sld [smem:$0x3FB5];
	_ =	sdelay $0x3  }
0x34: {  	[smem:$0x3FB5] =	sst s10  }
0x35: {  	s10 =	sld [smem:$0x3FB4];
	_ =	sdelay $0x3  }
0x36: {  	p1 =	seq.s32 s10, $0x1;
	s10 =	sld [smem:$0x3FB5];
	_ =	sdelay $0x3  }
0x37: {  	[smem:$0x3FB5] =	sst s10  }
0x38: {  	s10 =	sld [smem:$0x3FB6]  }
0x39: {  	_ = 	snop;
	(pc) =	sbr.ind lr, $3  }
0x3a: {  	_ = 	snop  }
0x3b: {  	_ = 	snop  }
0x3c: {  	p2 =	seq.s32 s10, $0x1;
	s10 =	sld [smem:$0x3FB5]  }
0x3d: {  	_ =	shalt  }
0x3e: {  	_ =	shalt  }
0x3f: {  	_ =	shalt  }
0x40: {  	_ =	shalt  }
0x41: {  	_ =	shalt  }
0x42: {  	_ =	shalt  }
0x43: {  	_ =	shalt  }
0x44: {  	_ =	shalt  }
0x45: {  	_ =	shalt  }
0x46: {  	_ =	shalt  }
0x47: {  	_ =	shalt  }
0x48: {  	_ =	shalt  }
0x49: {  	_ =	shalt  }
0x4a: {  	_ =	shalt  }
0x4b: {  	_ =	shalt  }
0x4c: {  	_ =	shalt  }
0x4d: {  	_ =	shalt  }
0x4e: {  	_ =	shalt  }
0x4f: {  	_ =	shalt  }
0x50: {  	_ =	shalt  }
0x51: {  	_ =	shalt  }
0x52: {  	_ =	shalt  }
0x53: {  	_ =	shalt  }
0x54: {  	_ =	shalt  }
0x55: {  	_ =	shalt  }
0x56: {  	_ =	shalt  }
0x57: {  	_ =	shalt  }
0x58: {  	_ =	shalt  }
0x59: {  	_ =	shalt  }
0x5a: {  	_ =	shalt  }
0x5b: {  	_ =	shalt  }
0x5c: {  	_ =	shalt  }
0x5d: {  	_ =	shalt  }
0x5e: {  	_ =	shalt  }
0x5f: {  	_ =	shalt  }
0x60: {  	_ =	shalt  }
0x61: {  	_ =	shalt  }
0x62: {  	_ =	shalt  }
0x63: {  	_ =	shalt  }
0x64: {  	_ =	shalt  }
0x65: {  	_ =	shalt  }
0x66: {  	_ =	shalt  }
0x67: {  	_ =	shalt  }
0x68: {  	_ =	shalt  }
0x69: {  	_ =	shalt  }
0x6a: {  	_ =	shalt  }
0x6b: {  	_ =	shalt  }
0x6c: {  	_ =	shalt  }
0x6d: {  	_ =	shalt  }
0x6e: {  	_ =	shalt  }
0x6f: {  	_ =	shalt  }
0x70: {  	_ =	shalt  }
0x71: {  	_ =	shalt  }
0x72: {  	_ =	shalt  }
0x73: {  	_ =	shalt  }
0x74: {  	_ =	shalt  }
0x75: {  	_ =	shalt  }
0x76: {  	_ =	shalt  }
0x77: {  	_ =	shalt  }
0x78: {  	_ =	shalt  }
0x79: {  	_ =	shalt  }
0x7a: {  	_ =	shalt  }
0x7b: {  	_ =	shalt  }
0x7c: {  	_ =	shalt  }
0x7d: {  	_ =	shalt  }
0x7e: {  	_ =	shalt  }
0x7f: {  	_ =	shalt  }
0x80: {  	_ =	shalt  }
0x81: {  	_ =	shalt  }
0x82: {  	_ =	shalt  }
0x83: {  	_ =	shalt  }
0x84: {  	_ =	shalt  }
0x85: {  	_ =	shalt  }
0x86: {  	_ =	shalt  }
0x87: {  	_ =	shalt  }
.Lfunc_end0:
.L_simem_size_0:
called_computation_lowered:
.L_overlay_start_0:
0x88: {  	s2 =	sld [smem:$0x3FD9]  }
0x89: {  	s3 =	sld [smem:$0x3FFE];
	_ =	sdelay $0x1  }
0x8a: {  	s1 =	srdreg.scid  }
0x8b: {  	s0 =	sand.u32 $0x1, s1  }
0x8c: {  	s17 =	sshll.u32 s0, $0xA;
	s2 =	sadd.s32 s3, s2  }
0x8d: {  	s2 =	sadd.s32 s2, s17  }
0x8e: {  	[smem:$0x3FC1] =	sst s2  }
0x8f: {  	_ = 	snop  }
0x90: {  	s2 =	sld [smem:$0x3FD0];
	(tm) =	ssettm $0x1  }
0x91: {  	s18 =	sld [smem:$0x3FFB];
	_ =	sdelay $0x3  }
0x92: {  	_ =	strace s18  }
0x93: {  	s3 =	sld [smem:$0x3FFC];
	_ =	sdelay $0x3  }
0x94: {  	_ =	strace s3  }
0x95: {  	s3 =	sld [smem:$0x3FFD];
	_ =	sdelay $0x3  }
0x96: {  	_ =	strace s3  }
0x97: {  	_ =	strace $0x8FFFFFFF  }
0x98: {  	s19 =	sld [smem:$0x3FDB];
	_ =	sdelay $0x1  }
0x99: {  	s4 =	simm.s32 $_scs_section_size  }
0x9a: {  	s5 =	simm.s32 $_size__tile_overlayer_lowered;
	s6 =	simm.s32 $_tile_overlayer_lowered  }
0x9b: {  	s22 =	simm.s32 $0x1BFF;
	s21 =	sshll.u32 s6, $0x1;
	s3 =	sadd.s32 s4, s19  }
0x9c: {  	s7 =	simm.s32 $0x0;
	s20 =	sshll.u32 s5, $0x1;
	s5 =	sadd.s32 s21, s3  }
0x9d: {  	[timem:s7], [sflag:s22] =	dma.local [hbm:s5], s20  }
0x9e: {  	_ =	swait.ge [sflag:s22], s20  }
0x9f: {  	s4 =	ssub.s32 $0x0, s20;
	[sflag:s22] =	ssyncset.done $0x0  }
0xa0: {  	[sflag:s22] =	ssyncadd.s32 s4;
	_ =	sdelay $0x1  }
0xa1: {  	s23 =	simm.s32 $0x1B8B  }
0xa2: {  	_ =	swait.ge [sflag:s23], $0x1  }
0xa3: {  	[sflag:s23] =	ssyncset.done $0x0  }
0xa4: {  	s25 =	simm.s32 $0x1B8E;
	s24 =	sld [smem:$0x3FFE];
	[sflag:s23] =	ssyncadd.s32 $0xFFFFFFFF  }
0xa5: {  	s26 =	simm.s32 $execute0_lowered;
	[smem:$0x3FD2] =	sst s25  }
0xa6: {  	s5 =	sshll.u32 s26, $0x1;
	_ =	strace $0x80000046;
	[dreg:$0x1] =	wrdreg $0xFFFFFFFF  }
0xa7: {  	s28 =	simm.s32 $_size_execute0_lowered;
	s3 =	sadd.s32 s3, s5;
	[dreg:$0x0] =	wrdreg $0x0  }
0xa8: {  	s5 =	sshll.u32 s28, $0x1;
	[dreg:$0x2] =	wrdreg s3  }
0xa9: {  	[dreg:$0x3] =	wrdreg s5  }
0xaa: {  	[dreg:$0x4] =	wrdreg $0xC0  }
0xab: {  	_ =	task [dreg:s7], $0x5FFFF  }
0xac: {  	[dreg:$0x1] =	wrdreg $0xFFFFFFFF  }
0xad: {  	[dreg:$0x0] =	wrdreg $0x60  }
0xae: {  	[dreg:$0x2] =	wrdreg s24  }
0xaf: {  	[dreg:$0x3] =	wrdreg s2  }
0xb0: {  	[dreg:$0x4] =	wrdreg $0x2AD00  }
0xb1: {  	[dreg:$0x5] =	wrdreg $0x9  }
0xb2: {  	_ =	task.clear_ibuf [dreg:s7], $0x6FFFF;
	_ =	strace $0x90000046  }
0xb3: {  	s29 =	simm.s32 $0x9;
	_ =	strace $0x80000048  }
0xb4: {  	_ =	swait.ge [sflag:s29], $0x1  }
0xb5: {  	[sflag:s29] =	ssyncadd.s32 $0xFFFFFFFF  }
0xb6: {  	_ =	strace $0x90000048  }
0xb7: {  	_ =	sfence  }
0xb8: {  	s30 =	sld [smem:$0x0];
	_ =	sdelay $0x2  }
0xb9: {  	s31 =	sshll.u32 s1, $0xD;
	s1 =	sshrl.u32 s1, $0x2  }
0xba: {  	s3 =	sand.u32 $0x4000, s31;
	s1 =	sadd.s32 s1, s30  }
0xbb: {  	s0 =	sor.u32 s3, s0;
	s1 =	sshll.u32 s1, $0x11  }
0xbc: {  	s0 =	sor.u32 s1, s0  }
0xbd: {  	s0 =	sadd.s32 $0x8F2B, s0  }
0xbe: {  	[sflag:s0] =	ssyncadd.remote.s32 $0x1  }
0xbf: {  	_ =	sfence.sel $0xFFFF  }
0xc0: {  	[dreg:$0x0] =	wrdreg $0xFFFFFFFF;
	(pc) =	sbr.abs _section_cstart, $3  }
0xc1: {  	[dreg:$0x1] =	wrdreg $0xFFFFFFFF  }
0xc2: {  	_ =	task.clear_ibuf [dreg:s7], $0x2FFFF;
	_ =	strace $0x9FFFFFFF  }
0xc3: {  	(tm) =	ssettm $0x7FFFFFFF  }
tec
execute0_lowered:
.L_overlay_start_1:
0x0: {  	(tag) =	ssettag $0x1  }
0x1: {  	s5 =	rddreg [dreg:$0x0]  }
0x2: {  	s2 =	rddreg [dreg:$0x1]  }
0x3: {  	s3 =	rddreg [dreg:$0x2];
	s4 =	srdreg.scid  }
0x4: {  	s0 =	rddreg [dreg:$0x3];
	s1 =	stileid.u32  }
0x5: {  	s11 =	simm.s32 $0x2;
	s12 =	simm.s32 $0x50;
	s13 =	simm.s32 $0x2800  }
0x6: {  	s14 =	simm.s32 $0x1;
	s15 =	simm.s32 $0x2850;
	s16 =	simm.s32 $0x0  }
0x7: {  	s6 =	sand.u32 $0x1, s4;
	s8 =	sshll.u32 s1, $0x7;
	s9 =	smul.u32 $0x280, s1  }
0x8: {  	s4 =	simm.s32 $0x0;
	s31 =	sshll.u32 s1, $0x6;
	s7 =	sshll.u32 s6, $0xB  }
0x9: {  	s30 =	smul.u32 $0x2800, s6;
	s6 =	ssub.s32 $0x2, s6;
	s7 =	sor.u32 s8, s7  }
0xa: {  	[smem:$0x7FF] =	sst s4;
	s10 =	sshrl.u32 s6, $0x1;
	s7 =	smul.u32 $0xA, s7  }
0xb: {  	_ =	strace $0x80000047;
	s8 =	sadd.s32 s9, s30;
	s10 =	ssub.s32 s6, s10  }
0xc: {  	s6 =	sor.u32 $0x1C02, s31;
	s8 =	sshrl.u32 s8, $0x3;
	s7 =	sadd.s32 s7, s5  }
0xd: {  	s8 =	sadd.s32 s8, s5;
	s5 =	sadd.s32 s9, s3;
	s9 =	smax.u32 s10, $0x1  }
0xe: {  	v0 =	vimm.f32 $1.000000000e+00;
	s7 =	sadd.s32 $0x1400, s7;
	s8 =	sadd.s32 $0xB400, s8;
	s10 =	sshrl.u32 s5, $0x3  }
.LBB2_1:
0xf: {  	[tilespmem:$0x2800] =	vst v0  }
0x10: {  	[tilespmem:$0x2810] =	vst v0  }
0x11: {  	[tilespmem:$0x2820] =	vst v0  }
0x12: {  	[tilespmem:$0x2830] =	vst v0  }
0x13: {  	[tilespmem:$0x2840] =	vst v0  }
0x14: {  	[spmem:s10], [sflag:s6] =	dma.local [hbm:s2], $0x50  }
0x15: {  	_ =	swait.ge [sflag:s11], $0x50  }
0x16: {  	[sflag:s11] =	ssyncset.done $0x0  }
0x17: {  	[sflag:s11] =	ssyncadd.s32 $0xFFFFFFB0  }
0x18: {  	[tilespmem:s4], [sflag:$0x2] =	stream.linear.gather [hbm4b:s7+s4], $0x2800, $0x38;
	[tilespmem:$0x2D50] =	vst v63  }
0x19: {  	_ =	swait.ge [sflag:s11], $0x2800  }
0x1a: {  	[sflag:s11] =	ssyncset.done $0x0  }
0x1b: {  	[sflag:s11] =	ssyncadd.s32 $0xFFFFD800  }
0x1c: {  	s17 =	simm.s32 $0x0;
	[bflag:$0x0] =	sbarrier.arrive $0xFFFF  }
0x1d: {  	[spmem:s3] =	stream.indirect.scatter.add.f32 [tilespmem:s13], [sflag:$0x1], $0x1, s17, s12, $0xb8;
	[tilespmem:$0x2D50] =	vst v63  }
0x1e: {  	s28 =	simm.s32 $0x50  }
0x1f: {  	[spmem:s3] =	stream.indirect.scatter.add.f32 [tilespmem:s13], [sflag:$0x1], $0x1, s28, s12, $0xb8;
	[tilespmem:$0x2D50] =	vst v63  }
0x20: {  	s29 =	simm.s32 $0xA0  }
0x21: {  	[spmem:s3] =	stream.indirect.scatter.add.f32 [tilespmem:s13], [sflag:$0x1], $0x1, s29, s12, $0xb8;
	[tilespmem:$0x2D50] =	vst v63  }
0x22: {  	s30 =	simm.s32 $0xF0  }
0x23: {  	[spmem:s3] =	stream.indirect.scatter.add.f32 [tilespmem:s13], [sflag:$0x1], $0x1, s30, s12, $0xb8;
	[tilespmem:$0x2D50] =	vst v63  }
0x24: {  	s31 =	simm.s32 $0x140  }
0x25: {  	[spmem:s3] =	stream.indirect.scatter.add.f32 [tilespmem:s13], [sflag:$0x1], $0x1, s31, s12, $0xb8;
	[tilespmem:$0x2D50] =	vst v63  }
0x26: {  	_ =	swait.ge [sflag:s14], $0x50  }
0x27: {  	[sflag:s14] =	ssyncset.done $0x0  }
0x28: {  	[sflag:s14] =	ssyncadd.s32 $0xFFFFFFB0  }
0x29: {  	_ =	swait.ge [sflag:s14], $0x50  }
0x2a: {  	[sflag:s14] =	ssyncset.done $0x0  }
0x2b: {  	[sflag:s14] =	ssyncadd.s32 $0xFFFFFFB0  }
0x2c: {  	_ =	swait.ge [sflag:s14], $0x50  }
0x2d: {  	[sflag:s14] =	ssyncset.done $0x0  }
0x2e: {  	[sflag:s14] =	ssyncadd.s32 $0xFFFFFFB0  }
0x2f: {  	_ =	swait.ge [sflag:s14], $0x50  }
0x30: {  	[sflag:s14] =	ssyncset.done $0x0  }
0x31: {  	[sflag:s14] =	ssyncadd.s32 $0xFFFFFFB0  }
0x32: {  	_ =	swait.ge [sflag:s14], $0x50  }
0x33: {  	s18 =	simm.s32 $0xC80;
	s17 =	simm.s32 $0x640;
	[sflag:s14] =	ssyncset.done $0x0  }
.LBB2_2:
0x34: {  	s19 =	sshra.s32 s17, $0x2  }
0x35: {  	[sflag:s14] =	ssyncadd.s32 $0xFFFFFFB0;
	s17 =	smov.u32 s18;
	s20 =	sadd.s32 $0x640, s18  }
0x36: {  	[spmem:s3] =	stream.indirect.scatter.add.f32 [tilespmem:s13], [sflag:$0x1], $0x1, s19, s12, $0xb8;
	[tilespmem:$0x2D50] =	vst v63  }
0x37: {  	p0 =	sne.s32 s18, $0x9600;
	s18 =	sadd.s32 $0x50, s19  }
0x38: {  	[spmem:s3] =	stream.indirect.scatter.add.f32 [tilespmem:s13], [sflag:$0x1], $0x1, s18, s12, $0xb8;
	[tilespmem:$0x2D50] =	vst v63  }
0x39: {  	s18 =	sadd.s32 $0xA0, s19  }
0x3a: {  	[spmem:s3] =	stream.indirect.scatter.add.f32 [tilespmem:s13], [sflag:$0x1], $0x1, s18, s12, $0xb8;
	[tilespmem:$0x2D50] =	vst v63  }
0x3b: {  	s18 =	sadd.s32 $0xF0, s19  }
0x3c: {  	[spmem:s3] =	stream.indirect.scatter.add.f32 [tilespmem:s13], [sflag:$0x1], $0x1, s18, s12, $0xb8;
	[tilespmem:$0x2D50] =	vst v63  }
0x3d: {  	s18 =	sadd.s32 $0x140, s19  }
0x3e: {  	[spmem:s3] =	stream.indirect.scatter.add.f32 [tilespmem:s13], [sflag:$0x1], $0x1, s18, s12, $0xb8;
	[tilespmem:$0x2D50] =	vst v63  }
0x3f: {  	_ =	swait.ge [sflag:s14], $0x50  }
0x40: {  	[sflag:s14] =	ssyncset.done $0x0  }
0x41: {  	[sflag:s14] =	ssyncadd.s32 $0xFFFFFFB0  }
0x42: {  	_ =	swait.ge [sflag:s14], $0x50  }
0x43: {  	[sflag:s14] =	ssyncset.done $0x0  }
0x44: {  	[sflag:s14] =	ssyncadd.s32 $0xFFFFFFB0  }
0x45: {  	_ =	swait.ge [sflag:s14], $0x50  }
0x46: {  	[sflag:s14] =	ssyncset.done $0x0  }
0x47: {  	[sflag:s14] =	ssyncadd.s32 $0xFFFFFFB0  }
.Ltmp0:
0x48: {  	_ =	swait.ge [sflag:s14], $0x50;
	(pc) =	sbr.rel @p0 .LBB2_2-.Ltmp0, $4  }
0x49: {  	[sflag:s14] =	ssyncset.done $0x0  }
0x4a: {  	[sflag:s14] =	ssyncadd.s32 $0xFFFFFFB0  }
0x4b: {  	_ =	swait.ge [sflag:s14], $0x50  }
0x4c: {  	s18 =	smov.u32 s20;
	[sflag:s14] =	ssyncset.done $0x0  }
0x4d: {  	s17 =	sshra.s32 s17, $0x2;
	[sflag:s14] =	ssyncadd.s32 $0xFFFFFFB0  }
0x4e: {  	[spmem:s3] =	stream.indirect.scatter.add.f32 [tilespmem:s13], [sflag:$0x1], $0x1, s17, s12, $0xb8;
	[tilespmem:$0x2D50] =	vst v63  }
0x4f: {  	s18 =	sadd.s32 $0x50, s17  }
0x50: {  	[spmem:s3] =	stream.indirect.scatter.add.f32 [tilespmem:s13], [sflag:$0x1], $0x1, s18, s12, $0xb8;
	[tilespmem:$0x2D50] =	vst v63  }
0x51: {  	s30 =	sadd.s32 $0xA0, s17  }
0x52: {  	[spmem:s3] =	stream.indirect.scatter.add.f32 [tilespmem:s13], [sflag:$0x1], $0x1, s30, s12, $0xb8;
	[tilespmem:$0x2D50] =	vst v63  }
0x53: {  	s31 =	sadd.s32 $0xF0, s17  }
0x54: {  	[spmem:s3] =	stream.indirect.scatter.add.f32 [tilespmem:s13], [sflag:$0x1], $0x1, s31, s12, $0xb8;
	[tilespmem:$0x2D50] =	vst v63  }
0x55: {  	s17 =	sadd.s32 $0x140, s17  }
0x56: {  	[spmem:s3] =	stream.indirect.scatter.add.f32 [tilespmem:s13], [sflag:$0x1], $0x1, s17, s12, $0xb8;
	[tilespmem:$0x2D50] =	vst v63  }
0x57: {  	_ =	swait.ge [sflag:s14], $0x50  }
0x58: {  	[sflag:s14] =	ssyncset.done $0x0  }
0x59: {  	[sflag:s14] =	ssyncadd.s32 $0xFFFFFFB0  }
0x5a: {  	_ =	swait.ge [sflag:s14], $0x50  }
0x5b: {  	[sflag:s14] =	ssyncset.done $0x0  }
0x5c: {  	[sflag:s14] =	ssyncadd.s32 $0xFFFFFFB0  }
0x5d: {  	_ =	swait.ge [sflag:s14], $0x50  }
0x5e: {  	[sflag:s14] =	ssyncset.done $0x0  }
0x5f: {  	[sflag:s14] =	ssyncadd.s32 $0xFFFFFFB0  }
0x60: {  	_ =	swait.ge [sflag:s14], $0x50  }
0x61: {  	[sflag:s14] =	ssyncset.done $0x0  }
0x62: {  	[sflag:s14] =	ssyncadd.s32 $0xFFFFFFB0  }
0x63: {  	_ =	swait.ge [sflag:s14], $0x50  }
0x64: {  	[sflag:s14] =	ssyncset.done $0x0  }
0x65: {  	[sflag:s14] =	ssyncadd.s32 $0xFFFFFFB0  }
0x66: {  	[bflag:$0x0] =	sbarrier.arrive $0xFFFF  }
0x67: {  	[tilespmem:s15], [sflag:$0x2] =	stream.linear.gather [spmem:s5], $0x280, $0x38;
	[tilespmem:$0x2D50] =	vst v63  }
0x68: {  	s16 =	sadd.s32 $0x1, s16;
	_ =	swait.ge [sflag:s11], $0x280  }
0x69: {  	p0 =	sne.s32 s16, s9;
	[sflag:s11] =	ssyncset.done $0x0  }
.Ltmp1:
0x6a: {  	[sflag:s11] =	ssyncadd.s32 $0xFFFFFD80;
	(pc) =	sbr.rel @p0 .LBB2_1-.Ltmp1, $4  }
0x6b: {  	[hbm4b:s8+s4] =	stream.linear.scatter [tilespmem:s15], [sflag:$0x2], $0x280, $0x38;
	[tilespmem:$0x2D50] =	vst v63  }
0x6c: {  	_ =	swait.ge [sflag:s11], $0x280  }
0x6d: {  	[sflag:s11] =	ssyncset.done $0x0  }
0x6e: {  	[sflag:s11] =	ssyncadd.s32 $0xFFFFFD80  }
0x6f: {  	_ =	sfence.sel $0x180000  }
0x70: {  	[bflag:$0x0] =	sbarrier.arrive $0xFFFF  }
0x71: {  	p0 =	sne.s32 s1, $0x0;
	_ =	strace $0x90000047  }
0x72: {  	s0 =	sadd.s32 @!p0 $0x100000, s0;
	[bflag:$0x2] =	sbarrier.arrive $0xFFFF  }
0x73: {  	[sflag:s0] =	ssyncadd.tile.s32 @!p0 $0x1;
	_ =	shalt  }
.Lfunc_end2:
_tile_overlayer_lowered:
.L_overlay_start_2:
0x74: {  	(tag) =	ssettag $0x2  }
0x75: {  	s0 =	rddreg [dreg:$0x0];
	s2 =	stileid.u32  }
0x76: {  	s1 =	rddreg [dreg:$0x1];
	p0 =	sne.s32 s2, $0x0  }
0x77: {  	s3 =	rddreg [dreg:$0x2];
	[bflag:$0x3] =	sbarrier.arrive $0xFFFF;
	s2 =	simm.s32 @!p0 $0x1C02  }
0x78: {  	[timem:s3], [sflag:s2] =	dma.local @!p0 [hbm:s0], s1  }
0x79: {  	s0 =	simm.s32 @!p0 $0x2  }
0x7a: {  	_ =	swait.ge @!p0 [sflag:s0], s1  }
0x7b: {  	s1 =	ssub.s32 @!p0 $0x0, s1;
	[sflag:s0] =	ssyncset.done @!p0 $0x0  }
0x7c: {  	[sflag:s0] =	ssyncadd.s32 @!p0 s1  }
0x7d: {  	[bflag:$0x3] =	sbarrier.arrive $0xFFFF  }
0x7e: {  	_ =	shalt  }

// kernel: kernel.9.cloned.1.call-start
scs
__scs_entry_jumppad:
0x0: {  	(pc) =	sbr.rel $0x88, $3  }
0x1: {  	(tag) =	ssettag $0x0;
	lr =	simm.s32 $0x1  }
0x2: {  	[smem:$0x3F9A] =	sst lr;
	_ =	strace $0xD0000000  }
0x3: {  	_ = 	snop  }
0x4: {  	_ = 	snop  }
0x5: {  	_ = 	snop  }
0x6: {  	_ = 	snop  }
0x7: {  	_ = 	snop  }
__scs_overlays_trampoline_lowered:
0x8: {  	[smem:$0x3FA9] =	sst s0  }
0x9: {  	[smem:$0x3FAA] =	sst s1  }
0xa: {  	[smem:$0x3FAB] =	sst s2  }
0xb: {  	[smem:$0x3FAC] =	sst s3  }
0xc: {  	[smem:$0x3FAD] =	sst s4  }
0xd: {  	[smem:$0x3FAE] =	sst s5  }
0xe: {  	[smem:$0x3FAF] =	sst s6  }
0xf: {  	[smem:$0x3FB0] =	sst s7  }
0x10: {  	[smem:$0x3FB1] =	sst s8  }
0x11: {  	[smem:$0x3FB2] =	sst s9;
	s0 =	simm.s32 @!p0 $0x0  }
0x12: {  	s1 =	sld [smem:$0x3F98];
	s0 =	simm.s32 @p0 $0x1  }
0x13: {  	[smem:$0x3FB3] =	sst s0;
	s0 =	simm.s32 @!p1 $0x0  }
0x14: {  	s2 =	sld [smem:$0x3F97];
	s0 =	simm.s32 @p1 $0x1  }
0x15: {  	[smem:$0x3FB4] =	sst s0;
	s0 =	simm.s32 @!p2 $0x0  }
0x16: {  	s3 =	sld [smem:$0x3FDB];
	s0 =	simm.s32 @p2 $0x1  }
0x17: {  	s4 =	simm.s32 $0x1BF5;
	[smem:$0x3FB6] =	sst s0  }
0x18: {  	s0 =	sld [smem:$0x3F99];
	_ =	swait.ge [sflag:s4], $0x0  }
0x19: {  	s7 =	sld [smem:$0x3F9A]  }
0x1a: {  	s8 =	sadd.s32 $0xFFFFE003, lr  }
0x1b: {  	s9 =	sadd.s32 $0xFFFFFEF7, lr;
	s5 =	simm.s32 $0xFFFFFFFF;
	p2 =	slt.u32 s8, $0xFFFFF086  }
0x1c: {  	p1 =	slt.u32 s9, $0xF7A;
	s5 =	simm.s32 @!p2 $0x0  }
0x1d: {  	s5 =	simm.s32 @p1 $0x1;
	p0 =	seq.s32 s7, s2  }
0x1e: {  	s7 =	smul.u32 @!p0 $0xF7A, s2;
	p2 =	seq.s32 @!p0 s5, $0x0  }
0x1f: {  	s9 =	smul.u32 $0xF7A, s1;
	s8 =	simm.s32 @!p0 $0x1BF5;
	p2 =	por !p2, p0  }
0x20: {  	[sflag:s8] =	ssyncset.s32 @!p0 $0xFFFFF086;
	s6 =	sadd.s32 @!p0 s3, s7;
	s7 =	simm.s32 @!p0 $0x108  }
0x21: {  	s3 =	sadd.s32 s3, s9;
	s6 =	sadd.s32 @!p0 $0x88, s6;
	s7 =	simm.s32 @p2 $0x1082  }
0x22: {  	[simem:s7], [sflag:s8] =	dma.local @!p0 [hbm:s6], $0xF7A  }
0x23: {  	s9 =	sor.u32 $0xD0000000, s2;
	s6 =	simm.s32 $0x108;
	_ =	swait.ge @!p0 [sflag:s8], $0x0  }
0x24: {  	s3 =	sadd.s32 $0x88, s3;
	s6 =	simm.s32 @!p1 $0x1082;
	[sflag:s4] =	ssyncset.s32 $0xFFFFF086  }
0x25: {  	[simem:s6], [sflag:s4] =	dma.local [hbm:s3], $0xF7A  }
0x26: {  	[smem:$0x3F9A] =	sst s1;
	(tag) =	ssettag s2;
	_ =	strace s9  }
0x27: {  	s1 =	sld [smem:$0x3FAA]  }
0x28: {  	s2 =	sld [smem:$0x3FAB]  }
0x29: {  	s4 =	sld [smem:$0x3FAD]  }
0x2a: {  	p0 =	seq.s32 s5, $0x0;
	s5 =	sld [smem:$0x3FAE]  }
0x2b: {  	s6 =	sld [smem:$0x3FAF]  }
0x2c: {  	s7 =	sld [smem:$0x3FB0]  }
0x2d: {  	s3 =	simm.s32 $0x108;
	s8 =	sld [smem:$0x3FB1]  }
0x2e: {  	s3 =	simm.s32 @!p0 $0x1082;
	s9 =	sld [smem:$0x3FB2]  }
0x2f: {  	lr =	sadd.s32 s0, s3;
	s0 =	sld [smem:$0x3FA9]  }
0x30: {  	s3 =	sld [smem:$0x3FAC]  }
0x31: {  	[smem:$0x3FB5] =	sst s10  }
0x32: {  	s10 =	sld [smem:$0x3FB3];
	_ =	sdelay $0x3  }
0x33: {  	p0 =	seq.s32 s10, $0x1;
	s10 =	sld [smem:$0x3FB5];
	_ =	sdelay $0x3  }
0x34: {  	[smem:$0x3FB5] =	sst s10  }
0x35: {  	s10 =	sld [smem:$0x3FB4];
	_ =	sdelay $0x3  }
0x36: {  	p1 =	seq.s32 s10, $0x1;
	s10 =	sld [smem:$0x3FB5];
	_ =	sdelay $0x3  }
0x37: {  	[smem:$0x3FB5] =	sst s10  }
0x38: {  	s10 =	sld [smem:$0x3FB6]  }
0x39: {  	_ = 	snop;
	(pc) =	sbr.ind lr, $3  }
0x3a: {  	_ = 	snop  }
0x3b: {  	_ = 	snop  }
0x3c: {  	p2 =	seq.s32 s10, $0x1;
	s10 =	sld [smem:$0x3FB5]  }
0x3d: {  	_ =	shalt  }
0x3e: {  	_ =	shalt  }
0x3f: {  	_ =	shalt  }
0x40: {  	_ =	shalt  }
0x41: {  	_ =	shalt  }
0x42: {  	_ =	shalt  }
0x43: {  	_ =	shalt  }
0x44: {  	_ =	shalt  }
0x45: {  	_ =	shalt  }
0x46: {  	_ =	shalt  }
0x47: {  	_ =	shalt  }
0x48: {  	_ =	shalt  }
0x49: {  	_ =	shalt  }
0x4a: {  	_ =	shalt  }
0x4b: {  	_ =	shalt  }
0x4c: {  	_ =	shalt  }
0x4d: {  	_ =	shalt  }
0x4e: {  	_ =	shalt  }
0x4f: {  	_ =	shalt  }
0x50: {  	_ =	shalt  }
0x51: {  	_ =	shalt  }
0x52: {  	_ =	shalt  }
0x53: {  	_ =	shalt  }
0x54: {  	_ =	shalt  }
0x55: {  	_ =	shalt  }
0x56: {  	_ =	shalt  }
0x57: {  	_ =	shalt  }
0x58: {  	_ =	shalt  }
0x59: {  	_ =	shalt  }
0x5a: {  	_ =	shalt  }
0x5b: {  	_ =	shalt  }
0x5c: {  	_ =	shalt  }
0x5d: {  	_ =	shalt  }
0x5e: {  	_ =	shalt  }
0x5f: {  	_ =	shalt  }
0x60: {  	_ =	shalt  }
0x61: {  	_ =	shalt  }
0x62: {  	_ =	shalt  }
0x63: {  	_ =	shalt  }
0x64: {  	_ =	shalt  }
0x65: {  	_ =	shalt  }
0x66: {  	_ =	shalt  }
0x67: {  	_ =	shalt  }
0x68: {  	_ =	shalt  }
0x69: {  	_ =	shalt  }
0x6a: {  	_ =	shalt  }
0x6b: {  	_ =	shalt  }
0x6c: {  	_ =	shalt  }
0x6d: {  	_ =	shalt  }
0x6e: {  	_ =	shalt  }
0x6f: {  	_ =	shalt  }
0x70: {  	_ =	shalt  }
0x71: {  	_ =	shalt  }
0x72: {  	_ =	shalt  }
0x73: {  	_ =	shalt  }
0x74: {  	_ =	shalt  }
0x75: {  	_ =	shalt  }
0x76: {  	_ =	shalt  }
0x77: {  	_ =	shalt  }
0x78: {  	_ =	shalt  }
0x79: {  	_ =	shalt  }
0x7a: {  	_ =	shalt  }
0x7b: {  	_ =	shalt  }
0x7c: {  	_ =	shalt  }
0x7d: {  	_ =	shalt  }
0x7e: {  	_ =	shalt  }
0x7f: {  	_ =	shalt  }
0x80: {  	_ =	shalt  }
0x81: {  	_ =	shalt  }
0x82: {  	_ =	shalt  }
0x83: {  	_ =	shalt  }
0x84: {  	_ =	shalt  }
0x85: {  	_ =	shalt  }
0x86: {  	_ =	shalt  }
0x87: {  	_ =	shalt  }
.Lfunc_end0:
.L_simem_size_0:
called_computation.1_lowered:
.L_overlay_start_0:
0x88: {  	s2 =	sld [smem:$0x3FD9]  }
0x89: {  	s3 =	sld [smem:$0x3FFE];
	_ =	sdelay $0x1  }
0x8a: {  	s1 =	srdreg.scid  }
0x8b: {  	s0 =	sand.u32 $0x1, s1  }
0x8c: {  	s16 =	sshll.u32 s0, $0xA;
	s2 =	sadd.s32 s3, s2  }
0x8d: {  	s2 =	sadd.s32 s2, s16  }
0x8e: {  	[smem:$0x3FC1] =	sst s2  }
0x8f: {  	_ = 	snop  }
0x90: {  	(tm) =	ssettm $0x1  }
0x91: {  	s17 =	sld [smem:$0x3FFB];
	_ =	sdelay $0x3  }
0x92: {  	_ =	strace s17  }
0x93: {  	s2 =	sld [smem:$0x3FFC];
	_ =	sdelay $0x3  }
0x94: {  	_ =	strace s2  }
0x95: {  	s2 =	sld [smem:$0x3FFD];
	_ =	sdelay $0x3  }
0x96: {  	_ =	strace s2  }
0x97: {  	_ =	strace $0x8FFFFFFF  }
0x98: {  	s18 =	sld [smem:$0x3FDB];
	_ =	sdelay $0x1  }
0x99: {  	s19 =	simm.s32 $_scs_section_size  }
0x9a: {  	s4 =	simm.s32 $_size__tile_overlayer_lowered;
	s5 =	simm.s32 $_tile_overlayer_lowered  }
0x9b: {  	s22 =	simm.s32 $0x1BFF;
	s21 =	sshll.u32 s5, $0x1;
	s2 =	sadd.s32 s19, s18  }
0x9c: {  	s6 =	simm.s32 $0x0;
	s20 =	sshll.u32 s4, $0x1;
	s4 =	sadd.s32 s21, s2  }
0x9d: {  	[timem:s6], [sflag:s22] =	dma.local [hbm:s4], s20  }
0x9e: {  	_ =	swait.ge [sflag:s22], s20  }
0x9f: {  	s3 =	ssub.s32 $0x0, s20;
	[sflag:s22] =	ssyncset.done $0x0  }
0xa0: {  	[sflag:s22] =	ssyncadd.s32 s3;
	_ =	sdelay $0x1  }
0xa1: {  	s23 =	simm.s32 $0x1B8B  }
0xa2: {  	_ =	swait.ge [sflag:s23], $0x1  }
0xa3: {  	[sflag:s23] =	ssyncset.done $0x0  }
0xa4: {  	s25 =	simm.s32 $0x1B8E;
	s24 =	sld [smem:$0x3FFE];
	[sflag:s23] =	ssyncadd.s32 $0xFFFFFFFF  }
0xa5: {  	s26 =	simm.s32 $execute0_lowered;
	[smem:$0x3FD2] =	sst s25  }
0xa6: {  	s4 =	sshll.u32 s26, $0x1;
	_ =	strace $0x80000049;
	[dreg:$0x1] =	wrdreg $0xFFFFFFFF  }
0xa7: {  	s28 =	simm.s32 $_size_execute0_lowered;
	s2 =	sadd.s32 s2, s4;
	[dreg:$0x0] =	wrdreg $0x0  }
0xa8: {  	s4 =	sshll.u32 s28, $0x1;
	[dreg:$0x2] =	wrdreg s2  }
0xa9: {  	[dreg:$0x3] =	wrdreg s4  }
0xaa: {  	[dreg:$0x4] =	wrdreg $0xC0  }
0xab: {  	_ =	task [dreg:s6], $0x5FFFF  }
0xac: {  	[dreg:$0x1] =	wrdreg $0xFFFFFFFF  }
0xad: {  	[dreg:$0x0] =	wrdreg $0x60  }
0xae: {  	[dreg:$0x2] =	wrdreg s24  }
0xaf: {  	[dreg:$0x3] =	wrdreg $0x8C000  }
0xb0: {  	[dreg:$0x4] =	wrdreg $0x9  }
0xb1: {  	_ =	task.clear_ibuf [dreg:s6], $0x5FFFF;
	_ =	strace $0x90000049  }
0xb2: {  	s29 =	simm.s32 $0x9;
	_ =	strace $0x8000004B  }
0xb3: {  	_ =	swait.ge [sflag:s29], $0x1  }
0xb4: {  	[sflag:s29] =	ssyncadd.s32 $0xFFFFFFFF  }
0xb5: {  	_ =	strace $0x9000004B  }
0xb6: {  	_ =	sfence  }
0xb7: {  	s30 =	sld [smem:$0x0];
	_ =	sdelay $0x2  }
0xb8: {  	s31 =	sshll.u32 s1, $0xD;
	s1 =	sshrl.u32 s1, $0x2  }
0xb9: {  	s3 =	sand.u32 $0x4000, s31;
	s1 =	sadd.s32 s1, s30  }
0xba: {  	s0 =	sor.u32 s3, s0;
	s1 =	sshll.u32 s1, $0x11  }
0xbb: {  	s0 =	sor.u32 s1, s0  }
0xbc: {  	s0 =	sadd.s32 $0x8F2B, s0  }
0xbd: {  	[sflag:s0] =	ssyncadd.remote.s32 $0x1  }
0xbe: {  	_ =	sfence.sel $0xFFFF  }
0xbf: {  	[dreg:$0x0] =	wrdreg $0xFFFFFFFF;
	(pc) =	sbr.abs _section_cstart, $3  }
0xc0: {  	[dreg:$0x1] =	wrdreg $0xFFFFFFFF  }
0xc1: {  	_ =	task.clear_ibuf [dreg:s6], $0x2FFFF;
	_ =	strace $0x9FFFFFFF  }
0xc2: {  	(tm) =	ssettm $0x7FFFFFFF  }
0xc3: {  	_ =	shalt  }
tec
execute0_lowered:
.L_overlay_start_1:
0x0: {  	(tag) =	ssettag $0x1  }
0x1: {  	s0 =	srdreg.scid;
	s1 =	rddreg [dreg:$0x0]  }
0x2: {  	s10 =	stileid.u32;
	s2 =	rddreg [dreg:$0x1]  }
0x3: {  	s28 =	simm.s32 $0x2800;
	s29 =	simm.s32 $0x50;
	s30 =	simm.s32 $0x5000  }
0x4: {  	s31 =	simm.s32 $0x1;
	s0 =	sand.u32 $0x1, s0;
	s4 =	sshll.u32 s10, $0x7  }
0x5: {  	s6 =	sadd.s32 $0x29E00, s1;
	s7 =	smul.u32 $0xA000, s10;
	s10 =	sshll.u32 s10, $0x6  }
0x6: {  	s3 =	sshll.u32 s0, $0xB;
	s20 =	ssub.s32 $0x2, s0;
	s0 =	smul.u32 $0xA0000, s0  }
0x7: {  	s10 =	sor.u32 $0x1C03, s10;
	s4 =	sor.u32 s4, s3;
	s3 =	simm.s32 $0x0  }
0x8: {  	s8 =	sshrl.u32 s20, $0x1;
	s9 =	sor.u32 $0x1400, s7;
	s19 =	sadd.s32 $0x2800, s7  }
0x9: {  	s4 =	smul.u32 $0xA, s4;
	[smem:$0x7FF] =	sst s3;
	s8 =	ssub.s32 s20, s8  }
0xa: {  	s11 =	sadd.s32 s7, s0;
	s12 =	sadd.s32 s0, s9;
	s24 =	sadd.s32 s0, s19  }
0xb: {  	s20 =	sadd.s32 $0x3C00, s7;
	s18 =	sadd.s32 s9, s2;
	s19 =	sadd.s32 s19, s2  }
0xc: {  	_ =	strace $0x8000004A;
	[dreg:$0x3] =	wrdreg s6;
	s6 =	sadd.s32 s7, s2  }
0xd: {  	[dreg:$0x4] =	wrdreg s10;
	s21 =	sshrl.u32 s11, $0x3;
	s22 =	sshrl.u32 s12, $0x3  }
0xe: {  	s25 =	sadd.s32 s0, s20;
	s20 =	sadd.s32 s20, s2;
	s5 =	sadd.s32 s4, s1  }
0xf: {  	s4 =	sadd.s32 $0x15E00, s1;
	s1 =	sadd.s32 $0x2B200, s1;
	s11 =	sshrl.u32 s25, $0x3  }
0x10: {  	s25 =	smax.u32 s8, $0x1;
	s10 =	sadd.s32 s1, s21;
	s23 =	sadd.s32 s1, s22  }
0x11: {  	s21 =	sadd.s32 $0x5000, s7;
	s11 =	sadd.s32 s1, s11;
	s22 =	sadd.s32 $0x6400, s7  }
0x12: {  	s16 =	sadd.s32 $0xBE00, s5;
	s17 =	sadd.s32 $0x1400, s5;
	[dreg:$0x5] =	wrdreg s10  }
0x13: {  	s5 =	simm.s32 $0x7800;
	[dreg:$0x6] =	wrdreg s23;
	s10 =	sshrl.u32 s24, $0x3  }
0x14: {  	s26 =	sadd.s32 s0, s21;
	s13 =	sadd.s32 s0, s22;
	s23 =	sadd.s32 $0x7800, s7  }
0x15: {  	s7 =	sadd.s32 $0x8C00, s7;
	s21 =	sadd.s32 s21, s2;
	s22 =	sadd.s32 s22, s2  }
0x16: {  	s10 =	sadd.s32 s1, s10;
	s12 =	sshrl.u32 s26, $0x3;
	s13 =	sshrl.u32 s13, $0x3  }
0x17: {  	s14 =	sadd.s32 s0, s23;
	s0 =	sadd.s32 s0, s7;
	s23 =	sadd.s32 s23, s2  }
0x18: {  	s24 =	sadd.s32 s7, s2;
	s26 =	simm.s32 $0x3;
	s7 =	simm.s32 $0x0  }
0x19: {  	[dreg:$0x7] =	wrdreg s10;
	s12 =	sadd.s32 s1, s12;
	s14 =	sshrl.u32 s14, $0x3  }
0x1a: {  	s13 =	sadd.s32 s1, s13;
	s0 =	sshrl.u32 s0, $0x3;
	s14 =	sadd.s32 s1, s14  }
0x1b: {  	s15 =	sadd.s32 s1, s0;
	s1 =	simm.s32 $0x6400;
	s0 =	simm.s32 $0x2  }
.LBB2_1:
0x1c: {  	s9 =	rddreg [dreg:$0x3]  }
0x1d: {  	s8 =	sshrl.u32 s6, $0x3;
	s10 =	rddreg [dreg:$0x4]  }
0x1e: {  	[spmem:s8], [sflag:s10] =	dma.local [hbm:s9], $0x1400  }
0x1f: {  	_ =	swait.ge [sflag:s26], $0x1400  }
0x20: {  	[sflag:s26] =	ssyncset.done $0x0  }
0x21: {  	[sflag:s26] =	ssyncadd.s32 $0xFFFFEC00  }
0x22: {  	[tilespmem:s3], [sflag:$0x3] =	stream.linear.gather [hbm4b:s16+s3], $0x2800, $0x38;
	[tilespmem:$0x12C00] =	vst v63  }
0x23: {  	_ =	swait.ge [sflag:s26], $0x2800  }
0x24: {  	[sflag:s26] =	ssyncset.done $0x0  }
0x25: {  	[sflag:s26] =	ssyncadd.s32 $0xFFFFD800  }
0x26: {  	[tilespmem:s28], [sflag:$0x3] =	stream.linear.gather [hbm4b:s17+s3], $0x2800, $0x38;
	[tilespmem:$0x12C00] =	vst v63  }
0x27: {  	_ =	swait.ge [sflag:s26], $0x2800  }
0x28: {  	[sflag:s26] =	ssyncset.done $0x0  }
0x29: {  	[sflag:s26] =	ssyncadd.s32 $0xFFFFD800  }
0x2a: {  	[bflag:$0x0] =	sbarrier.arrive $0xFFFF  }
0x2b: {  	[tilespmem:s30], [sflag:$0x1] =	stream.indirect.gather [hbm4b:s4+s29], $0x40, s3, s29, $0xb8;
	[tilespmem:$0x12C00] =	vst v63  }
0x2c: {  	_ =	swait.ge [sflag:s31], $0x1400  }
0x2d: {  	[sflag:s31] =	ssyncset.done $0x0  }
0x2e: {  	[sflag:s31] =	ssyncadd.s32 $0xFFFFEC00  }
0x2f: {  	[spmem:s2] =	stream.indirect.scatter.add.f32 [tilespmem:s30], [sflag:$0x2], $0x40, s28, s29, $0xb8;
	[tilespmem:$0x12C00] =	vst v63  }
0x30: {  	_ = 	snop  }
0x31: {  	[tilespmem:s1], [sflag:$0x1] =	stream.indirect.gather [hbm4b:s4+s29], $0x40, s29, s29, $0xb8;
	[tilespmem:$0x12C00] =	vst v63  }
0x32: {  	_ =	swait.ge [sflag:s31], $0x1400  }
0x33: {  	[sflag:s31] =	ssyncset.done $0x0  }
0x34: {  	s10 =	simm.s32 $0x2850;
	[sflag:s31] =	ssyncadd.s32 $0xFFFFEC00  }
0x35: {  	[spmem:s2] =	stream.indirect.scatter.add.f32 [tilespmem:s1], [sflag:$0x2], $0x40, s10, s29, $0xb8;
	[tilespmem:$0x12C00] =	vst v63  }
0x36: {  	_ =	swait.ge [sflag:s0], $0x1400  }
0x37: {  	[sflag:s0] =	ssyncset.done $0x0  }
0x38: {  	s9 =	simm.s32 $0xA0;
	[sflag:s0] =	ssyncadd.s32 $0xFFFFEC00  }
0x39: {  	[tilespmem:s30], [sflag:$0x1] =	stream.indirect.gather [hbm4b:s4+s29], $0x40, s9, s29, $0xb8;
	[tilespmem:$0x12C00] =	vst v63  }
0x3a: {  	_ =	swait.ge [sflag:s31], $0x1400  }
0x3b: {  	[sflag:s31] =	ssyncset.done $0x0  }
0x3c: {  	s10 =	simm.s32 $0x28A0;
	[sflag:s31] =	ssyncadd.s32 $0xFFFFEC00  }
0x3d: {  	[spmem:s2] =	stream.indirect.scatter.add.f32 [tilespmem:s30], [sflag:$0x2], $0x40, s10, s29, $0xb8;
	[tilespmem:$0x12C00] =	vst v63  }
0x3e: {  	_ =	swait.ge [sflag:s0], $0x1400  }
0x3f: {  	[sflag:s0] =	ssyncset.done $0x0  }
0x40: {  	s8 =	simm.s32 $0xFFFF6A00;
	s9 =	simm.s32 $0xF0;
	[sflag:s0] =	ssyncadd.s32 $0xFFFFEC00  }
.LBB2_2:
0x41: {  	[tilespmem:s1], [sflag:$0x1] =	stream.indirect.gather [hbm4b:s4+s29], $0x40, s9, s29, $0xb8;
	[tilespmem:$0x12C00] =	vst v63  }
0x42: {  	s9 =	smov.u32 s8  }
0x43: {  	p0 =	sne.s32 s8, $0xFFFFFD80;
	s8 =	sadd.s32 $0x280, s8;
	_ =	swait.ge [sflag:s31], $0x1400  }
0x44: {  	s9 =	sshra.s32 s9, $0x2;
	[sflag:s31] =	ssyncset.done $0x0  }
0x45: {  	s10 =	sadd.s32 $0x4E70, s9;
	[sflag:s31] =	ssyncadd.s32 $0xFFFFEC00  }
0x46: {  	[spmem:s2] =	stream.indirect.scatter.add.f32 [tilespmem:s1], [sflag:$0x2], $0x40, s10, s29, $0xb8;
	[tilespmem:$0x12C00] =	vst v63  }
0x47: {  	_ =	swait.ge [sflag:s0], $0x1400  }
0x48: {  	[sflag:s0] =	ssyncset.done $0x0  }
0x49: {  	s10 =	sadd.s32 $0x26C0, s9;
	[sflag:s0] =	ssyncadd.s32 $0xFFFFEC00  }
0x4a: {  	[tilespmem:s30], [sflag:$0x1] =	stream.indirect.gather [hbm4b:s4+s29], $0x40, s10, s29, $0xb8;
	[tilespmem:$0x12C00] =	vst v63  }
0x4b: {  	_ =	swait.ge [sflag:s31], $0x1400  }
0x4c: {  	[sflag:s31] =	ssyncset.done $0x0  }
.Ltmp0:
0x4d: {  	s10 =	sadd.s32 $0x4EC0, s9;
	[sflag:s31] =	ssyncadd.s32 $0xFFFFEC00;
	(pc) =	sbr.rel @p0 .LBB2_2-.Ltmp0, $4  }
0x4e: {  	[spmem:s2] =	stream.indirect.scatter.add.f32 [tilespmem:s30], [sflag:$0x2], $0x40, s10, s29, $0xb8;
	[tilespmem:$0x12C00] =	vst v63  }
0x4f: {  	_ =	swait.ge [sflag:s0], $0x1400  }
0x50: {  	[sflag:s0] =	ssyncset.done $0x0  }
0x51: {  	s9 =	sadd.s32 $0x2710, s9;
	[sflag:s0] =	ssyncadd.s32 $0xFFFFEC00  }
0x52: {  	[tilespmem:s1], [sflag:$0x1] =	stream.indirect.gather [hbm4b:s4+s29], $0x40, s9, s29, $0xb8;
	[tilespmem:$0x12C00] =	vst v63  }
0x53: {  	_ =	swait.ge [sflag:s31], $0x1400  }
0x54: {  	[sflag:s31] =	ssyncset.done $0x0  }
0x55: {  	s8 =	simm.s32 $0x4E70;
	[sflag:s31] =	ssyncadd.s32 $0xFFFFEC00  }
0x56: {  	[spmem:s2] =	stream.indirect.scatter.add.f32 [tilespmem:s1], [sflag:$0x2], $0x40, s8, s29, $0xb8;
	[tilespmem:$0x12C00] =	vst v63  }
0x57: {  	_ =	swait.ge [sflag:s0], $0x1400  }
0x58: {  	[sflag:s0] =	ssyncset.done $0x0  }
0x59: {  	s10 =	simm.s32 $0x26C0;
	[sflag:s0] =	ssyncadd.s32 $0xFFFFEC00  }
0x5a: {  	[tilespmem:s30], [sflag:$0x1] =	stream.indirect.gather [hbm4b:s4+s29], $0x40, s10, s29, $0xb8;
	[tilespmem:$0x12C00] =	vst v63  }
0x5b: {  	_ =	swait.ge [sflag:s31], $0x1400  }
0x5c: {  	[sflag:s31] =	ssyncset.done $0x0  }
0x5d: {  	s9 =	simm.s32 $0x4EC0;
	[sflag:s31] =	ssyncadd.s32 $0xFFFFEC00  }
0x5e: {  	[spmem:s2] =	stream.indirect.scatter.add.f32 [tilespmem:s30], [sflag:$0x2], $0x40, s9, s29, $0xb8;
	[tilespmem:$0x12C00] =	vst v63  }
0x5f: {  	_ =	swait.ge [sflag:s0], $0x1400  }
0x60: {  	[sflag:s0] =	ssyncset.done $0x0  }
0x61: {  	[sflag:s0] =	ssyncadd.s32 $0xFFFFEC00  }
0x62: {  	_ =	swait.ge [sflag:s0], $0x1400  }
0x63: {  	[sflag:s0] =	ssyncset.done $0x0  }
0x64: {  	[sflag:s0] =	ssyncadd.s32 $0xFFFFEC00  }
0x65: {  	[bflag:$0x0] =	sbarrier.arrive $0xFFFF  }
0x66: {  	[tilespmem:s5], [sflag:$0x3] =	stream.linear.gather [spmem:s6], $0x1400, $0x38;
	[tilespmem:$0x12C00] =	vst v63  }
0x67: {  	_ =	swait.ge [sflag:s26], $0x1400  }
0x68: {  	[sflag:s26] =	ssyncset.done $0x0  }
0x69: {  	s10 =	rddreg [dreg:$0x5];
	[sflag:s26] =	ssyncadd.s32 $0xFFFFEC00  }
0x6a: {  	[hbm4b:s10+s3] =	stream.linear.scatter [tilespmem:s5], [sflag:$0x3], $0x1400, $0x38;
	[tilespmem:$0x12C00] =	vst v63  }
0x6b: {  	_ =	swait.ge [sflag:s26], $0x1400  }
0x6c: {  	[sflag:s26] =	ssyncset.done $0x0  }
0x6d: {  	[sflag:s26] =	ssyncadd.s32 $0xFFFFEC00  }
0x6e: {  	[tilespmem:s5], [sflag:$0x3] =	stream.linear.gather [spmem:s18], $0x1400, $0x38;
	[tilespmem:$0x12C00] =	vst v63  }
0x6f: {  	_ =	swait.ge [sflag:s26], $0x1400  }
0x70: {  	[sflag:s26] =	ssyncset.done $0x0  }
0x71: {  	s9 =	rddreg [dreg:$0x6];
	[sflag:s26] =	ssyncadd.s32 $0xFFFFEC00  }
0x72: {  	[hbm4b:s9+s3] =	stream.linear.scatter [tilespmem:s5], [sflag:$0x3], $0x1400, $0x38;
	[tilespmem:$0x12C00] =	vst v63  }
0x73: {  	_ =	swait.ge [sflag:s26], $0x1400  }
0x74: {  	[sflag:s26] =	ssyncset.done $0x0  }
0x75: {  	[sflag:s26] =	ssyncadd.s32 $0xFFFFEC00  }
0x76: {  	[tilespmem:s5], [sflag:$0x3] =	stream.linear.gather [spmem:s19], $0x1400, $0x38;
	[tilespmem:$0x12C00] =	vst v63  }
0x77: {  	_ =	swait.ge [sflag:s26], $0x1400  }
0x78: {  	[sflag:s26] =	ssyncset.done $0x0  }
0x79: {  	s10 =	rddreg [dreg:$0x7];
	[sflag:s26] =	ssyncadd.s32 $0xFFFFEC00  }
0x7a: {  	[hbm4b:s10+s3] =	stream.linear.scatter [tilespmem:s5], [sflag:$0x3], $0x1400, $0x38;
	[tilespmem:$0x12C00] =	vst v63  }
0x7b: {  	_ =	swait.ge [sflag:s26], $0x1400  }
0x7c: {  	[sflag:s26] =	ssyncset.done $0x0  }
0x7d: {  	[sflag:s26] =	ssyncadd.s32 $0xFFFFEC00  }
0x7e: {  	[tilespmem:s5], [sflag:$0x3] =	stream.linear.gather [spmem:s20], $0x1400, $0x38;
	[tilespmem:$0x12C00] =	vst v63  }
0x7f: {  	_ =	swait.ge [sflag:s26], $0x1400  }
0x80: {  	[sflag:s26] =	ssyncset.done $0x0  }
0x81: {  	[sflag:s26] =	ssyncadd.s32 $0xFFFFEC00  }
0x82: {  	[hbm4b:s11+s3] =	stream.linear.scatter [tilespmem:s5], [sflag:$0x3], $0x1400, $0x38;
	[tilespmem:$0x12C00] =	vst v63  }
0x83: {  	_ =	swait.ge [sflag:s26], $0x1400  }
0x84: {  	[sflag:s26] =	ssyncset.done $0x0  }
0x85: {  	[sflag:s26] =	ssyncadd.s32 $0xFFFFEC00  }
0x86: {  	[tilespmem:s5], [sflag:$0x3] =	stream.linear.gather [spmem:s21], $0x1400, $0x38;
	[tilespmem:$0x12C00] =	vst v63  }
0x87: {  	_ =	swait.ge [sflag:s26], $0x1400  }
0x88: {  	[sflag:s26] =	ssyncset.done $0x0  }
0x89: {  	[sflag:s26] =	ssyncadd.s32 $0xFFFFEC00  }
0x8a: {  	[hbm4b:s12+s3] =	stream.linear.scatter [tilespmem:s5], [sflag:$0x3], $0x1400, $0x38;
	[tilespmem:$0x12C00] =	vst v63  }
0x8b: {  	_ =	swait.ge [sflag:s26], $0x1400  }
0x8c: {  	[sflag:s26] =	ssyncset.done $0x0  }
0x8d: {  	[sflag:s26] =	ssyncadd.s32 $0xFFFFEC00  }
0x8e: {  	[tilespmem:s5], [sflag:$0x3] =	stream.linear.gather [spmem:s22], $0x1400, $0x38;
	[tilespmem:$0x12C00] =	vst v63  }
0x8f: {  	_ =	swait.ge [sflag:s26], $0x1400  }
0x90: {  	[sflag:s26] =	ssyncset.done $0x0  }
0x91: {  	[sflag:s26] =	ssyncadd.s32 $0xFFFFEC00  }
0x92: {  	[hbm4b:s13+s3] =	stream.linear.scatter [tilespmem:s5], [sflag:$0x3], $0x1400, $0x38;
	[tilespmem:$0x12C00] =	vst v63  }
0x93: {  	_ =	swait.ge [sflag:s26], $0x1400  }
0x94: {  	[sflag:s26] =	ssyncset.done $0x0  }
0x95: {  	[sflag:s26] =	ssyncadd.s32 $0xFFFFEC00  }
0x96: {  	[tilespmem:s5], [sflag:$0x3] =	stream.linear.gather [spmem:s23], $0x1400, $0x38;
	[tilespmem:$0x12C00] =	vst v63  }
0x97: {  	_ =	swait.ge [sflag:s26], $0x1400  }
0x98: {  	[sflag:s26] =	ssyncset.done $0x0  }
0x99: {  	[sflag:s26] =	ssyncadd.s32 $0xFFFFEC00  }
0x9a: {  	[hbm4b:s14+s3] =	stream.linear.scatter [tilespmem:s5], [sflag:$0x3], $0x1400, $0x38;
	[tilespmem:$0x12C00] =	vst v63  }
0x9b: {  	_ =	swait.ge [sflag:s26], $0x1400  }
0x9c: {  	[sflag:s26] =	ssyncset.done $0x0  }
0x9d: {  	[sflag:s26] =	ssyncadd.s32 $0xFFFFEC00  }
0x9e: {  	[tilespmem:s5], [sflag:$0x3] =	stream.linear.gather [spmem:s24], $0x1400, $0x38;
	[tilespmem:$0x12C00] =	vst v63  }
0x9f: {  	s7 =	sadd.s32 $0x1, s7;
	_ =	swait.ge [sflag:s26], $0x1400  }
0xa0: {  	p0 =	sne.s32 s7, s25;
	[sflag:s26] =	ssyncset.done $0x0  }
.Ltmp1:
0xa1: {  	[sflag:s26] =	ssyncadd.s32 $0xFFFFEC00;
	(pc) =	sbr.rel @p0 .LBB2_1-.Ltmp1, $4  }
0xa2: {  	[hbm4b:s15+s3] =	stream.linear.scatter [tilespmem:s5], [sflag:$0x3], $0x1400, $0x38;
	[tilespmem:$0x12C00] =	vst v63  }
0xa3: {  	_ =	swait.ge [sflag:s26], $0x1400  }
0xa4: {  	[sflag:s26] =	ssyncset.done $0x0  }
0xa5: {  	[sflag:s26] =	ssyncadd.s32 $0xFFFFEC00  }
0xa6: {  	_ =	sfence.sel $0x180000  }
0xa7: {  	[bflag:$0x0] =	sbarrier.arrive $0xFFFF  }
0xa8: {  	_ =	strace $0x9000004A  }
0xa9: {  	s0 =	stileid.u32;
	[bflag:$0x2] =	sbarrier.arrive $0xFFFF  }
0xaa: {  	p0 =	sne.s32 s0, $0x0;
	s0 =	rddreg [dreg:$0x2]  }
0xab: {  	s0 =	sadd.s32 @!p0 $0x100000, s0  }
0xac: {  	[sflag:s0] =	ssyncadd.tile.s32 @!p0 $0x1;
	_ =	shalt  }
.Lfunc_end2:
_tile_overlayer_lowered:
.L_overlay_start_2:
0xad: {  	(tag) =	ssettag $0x2  }
0xae: {  	s0 =	rddreg [dreg:$0x0];
	s2 =	stileid.u32  }
0xaf: {  	s1 =	rddreg [dreg:$0x1];
	p0 =	sne.s32 s2, $0x0  }
0xb0: {  	s3 =	rddreg [dreg:$0x2];
	[bflag:$0x3] =	sbarrier.arrive $0xFFFF;
	s2 =	simm.s32 @!p0 $0x1C03  }
0xb1: {  	[timem:s3], [sflag:s2] =	dma.local @!p0 [hbm:s0], s1  }
0xb2: {  	s0 =	simm.s32 @!p0 $0x3  }
0xb3: {  	_ =	swait.ge @!p0 [sflag:s0], s1  }
0xb4: {  	s1 =	ssub.s32 @!p0 $0x0, s1;
	[sflag:s0] =	ssyncset.done @!p0 $0x0  }
0xb5: {  	[sflag:s0] =	ssyncadd.s32 @!p0 s1  }
0xb6: {  	[bflag:$0x3] =	sbarrier.arrive $0xFFFF  }
0xb7: {  	_ =	shalt  }

</sc_bundles>
